<compile_context>
chip_gen: v7x
topology: tpu7x:2x2x1
jax: 0.10.2.dev20260603
libtpu: 0.0.44.dev20260713+nightly
codegen_flags: <defaults>
</compile_context>

<pallas_src>
import functools

import jax
import jax.numpy as jnp
from jax import lax
from jax.experimental import pallas as pl
from jax.experimental.pallas import tpu as pltpu
from jax.experimental.pallas import tpu_sc as plsc

HIDDEN = 64
B, L = 4096, 200
N = B * L
NTOK = 1000000
TBLK = 16384
NTOKP = ((NTOK + TBLK - 1) // TBLK) * TBLK
NC, NS = 2, 16
NW = NC * NS
NPW = N // NW
G = 128
NG = NPW // G
NBUF = 2


def _tc_prep(tokT, posT, typT, turT, ptabT, ttab, utab):

    def body(tok_ref, p_ref, t_ref, u_ref, ptab_ref, ttab_ref, utab_ref,
             ftok_ref, fidx_ref, fused_ref):
        tok = tok_ref[...]
        slot = ((tok & 8191) << 1) | ((tok >> 13) & 1)
        ftok_ref[...] = (tok & ~16383) | slot
        fidx_ref[...] = p_ref[...] * 32 + t_ref[...] * 16 + u_ref[...]
        pos = ptab_ref[...].T
        pos2 = jnp.concatenate([pos, pos], axis=1)
        typ = ttab_ref[...]
        typ2 = jnp.concatenate([typ, typ], axis=1)
        tt3 = utab_ref[...].reshape(8, 2, 64)
        turnp = jnp.concatenate([tt3[:, 0, :], tt3[:, 1, :]], axis=1)
        fused_ref[...] = (pos2[:, None, None, :] + typ2[None, :, None, :]
                          + turnp[None, None, :, :])

    return pl.pallas_call(
        body,
        out_shape=[
            jax.ShapeDtypeStruct((L, B), jnp.int32),
            jax.ShapeDtypeStruct((L, B), jnp.int32),
            jax.ShapeDtypeStruct((512, 2, 8, 128), jnp.float32),
        ],
    )(tokT, posT, typT, turT, ptabT, ttab, utab)


def _tc_table_transpose(tabT):

    def body(x_ref, o_ref):
        y = x_ref[...].T
        o_ref[...] = jnp.concatenate([y[: TBLK // 2], y[TBLK // 2:]], axis=1)

    return pl.pallas_call(
        body,
        grid=(NTOKP // TBLK,),
        in_specs=[pl.BlockSpec((64, TBLK), lambda i: (0, i))],
        out_specs=pl.BlockSpec((TBLK // 2, 128), lambda i: (i, 0)),
        out_shape=jax.ShapeDtypeStruct((NTOKP // 2, 128), jnp.float32),
    )(tabT)


def _sc_embed(token_table, fused_table, tok_idx, fidx):
    mesh = plsc.VectorSubcoreMesh(core_axis_name="c", subcore_axis_name="s")

    @functools.partial(
        pl.kernel,
        out_type=jax.ShapeDtypeStruct((N, HIDDEN), jnp.float32),
        mesh=mesh,
        scratch_types=[
            pltpu.VMEM((NG, G), jnp.int32),
            pltpu.VMEM((NG, G), jnp.int32),
            pltpu.VMEM((NBUF, G, HIDDEN), jnp.float32),
            pltpu.VMEM((NBUF, G, HIDDEN), jnp.float32),
            pltpu.SemaphoreType.DMA,
            pltpu.SemaphoreType.DMA,
        ],
        compiler_params=pltpu.CompilerParams(use_tc_tiling_on_sc=False),
    )
    def kern(tok_tab, fus_tab, tok_i, fus_i, out, idx_t, idx_f, rows_t,
             rows_f, sem0, sem1):
        wid = lax.axis_index("s") * NC + lax.axis_index("c")
        base = wid * NPW
        pltpu.sync_copy(tok_i.at[wid], idx_t)
        pltpu.sync_copy(fus_i.at[wid], idx_f)
        sems = [sem0, sem1]

        def fire(g, b):
            pltpu.make_async_copy(
                tok_tab.at[idx_t.at[g]], rows_t.at[b], sems[b]).start()
            pltpu.make_async_copy(
                fus_tab.at[idx_f.at[g]], rows_f.at[b], sems[b]).start()

        def drain(g, b):
            pltpu.make_async_copy(
                tok_tab.at[idx_t.at[g]], rows_t.at[b], sems[b]).wait()
            pltpu.make_async_copy(
                fus_tab.at[idx_f.at[g]], rows_f.at[b], sems[b]).wait()

        for b in range(NBUF):
            fire(b, b)

        def outer(g0, carry):
            for b in range(NBUF):
                g = g0 * NBUF + b
                drain(g, b)

                def add_row(r, c):
                    for cc in range(HIDDEN // 16):
                        sl = (b, r, pl.ds(cc * 16, 16))
                        plsc.addupdate(rows_t.at[sl], rows_f[sl])
                    return c

                lax.fori_loop(0, G, add_row, carry)
                pltpu.sync_copy(rows_t.at[b],
                                out.at[pl.ds(base + g * G, G)])

                @pl.when(g + NBUF < NG)
                def _():
                    fire(g + NBUF, b)
            return carry

        lax.fori_loop(0, NG // NBUF, outer, 0)

    return kern(token_table, fused_table, tok_idx, fidx)


def kernel(token_inp, pos_inp, type_inp, turn_inp, token_table, pos_table,
           type_table, turn_table):
    ftokP, fidxP, fusedP = _tc_prep(
        token_inp.astype(jnp.int32).T, pos_inp.T, type_inp.T, turn_inp.T,
        pos_table.T, type_table, turn_table)
    table_pairs = _tc_table_transpose(token_table.T)
    out_lin = _sc_embed(
        table_pairs.reshape(NTOKP, HIDDEN),
        fusedP.reshape(512 * 2 * 16, HIDDEN),
        ftokP.reshape(NW, NG, G),
        fidxP.reshape(NW, NG, G),
    )
    return out_lin.reshape(L, B, HIDDEN).transpose(1, 0, 2)

# --- scband reference (transcript-rebuilt; emitter-appended) ---
"""Pipeline reference for scband-embedder-47622597378286 (READ-ONLY COPY).

The authoritative reference and input builder live on the scoring server;
editing this copy changes nothing except your own understanding.
"""

import jax, jax.numpy as jnp
import numpy as np

HIDDEN = 64
NUM_TOK = 1000000
NUM_POS = 512
NUM_TYPE = 2
NUM_TURN = 16
B, L = 4096, 200

def _xavier(key, shape):
    fan_in, fan_out = shape[0], shape[1]
    limit = float(np.sqrt(6.0 / (fan_in + fan_out)))
    return jax.random.uniform(key, shape, dtype=jnp.float32, minval=-limit, maxval=limit)

def setup_inputs(seed: int = 0) -> dict:
    key = jax.random.key(seed)
    k1, k2, k3, k4, k5, k6, k7, k8 = jax.random.split(key, 8)
    return {
        "token_inp": jax.random.randint(k1, (B, L), 0, NUM_TOK, dtype=jnp.int64) if jax.config.jax_enable_x64 else jax.random.randint(k1, (B, L), 0, NUM_TOK, dtype=jnp.int32),
        "pos_inp": jax.random.randint(k2, (B, L), 0, NUM_POS, dtype=jnp.int32),
        "type_inp": jax.random.randint(k3, (B, L), 0, NUM_TYPE, dtype=jnp.int32),
        "turn_inp": jax.random.randint(k4, (B, L), 0, NUM_TURN, dtype=jnp.int32),
        "token_table": _xavier(k5, (NUM_TOK, HIDDEN)),
        "pos_table": _xavier(k6, (NUM_POS, HIDDEN)),
        "type_table": _xavier(k7, (NUM_TYPE, HIDDEN)),
        "turn_table": _xavier(k8, (NUM_TURN, HIDDEN)),
    }

def reference(token_inp, pos_inp, type_inp, turn_inp, token_table, pos_table, type_table, turn_table):
    # Composite embedding: sum of four gathers. Dropout is identity at eval time.
    embed = (jnp.take(token_table, token_inp, axis=0)
             + jnp.take(pos_table, pos_inp, axis=0)
             + jnp.take(type_table, type_inp, axis=0)
             + jnp.take(turn_table, turn_inp, axis=0))
    return embed

if __name__ == "__main__":
    import jax
    _d = setup_inputs()
    print(jax.jit(kernel)(*tuple(_d.values())))

</pallas_src>

<mosaic_0001>
#map = affine_map<(d0, d1) -> (0, 0)>
#map1 = affine_map<(d0, d1) -> (0, 0, 0)>
module attributes {stable_mosaic.version = 14 : i64} {
  func.func @kern(%arg0: i32, %arg1: i32, %arg2: memref<1015808x64xf32, #tpu.memory_space<hbm>>, %arg3: memref<16384x64xf32, #tpu.memory_space<hbm>>, %arg4: memref<32x200x128xi32, #tpu.memory_space<hbm>>, %arg5: memref<32x200x128xi32, #tpu.memory_space<hbm>>, %arg6: memref<819200x64xf32, #tpu.memory_space<hbm>>, %arg7: memref<200x128xi32, #tpu.memory_space<vmem>>, %arg8: memref<200x128xi32, #tpu.memory_space<vmem>>, %arg9: memref<2x128x64xf32, #tpu.memory_space<vmem>>, %arg10: memref<2x128x64xf32, #tpu.memory_space<vmem>>, %arg11: memref<!tpu.dma_semaphore, #tpu.memory_space<semaphore_mem>>, %arg12: memref<!tpu.dma_semaphore, #tpu.memory_space<semaphore_mem>>) attributes {dimension_semantics = [#tpu.dimension_semantics<core_parallel>, #tpu.dimension_semantics<subcore_parallel>], iteration_bounds = array<i64: 2, 16>, scalar_prefetch = 0 : i64, scratch_operands = 6 : i64, tpu.core_type = #tpu.core_type<sc_vector_subcore>, window_params = [{transform_indices = #map}, {transform_indices = #map}, {transform_indices = #map1}, {transform_indices = #map1}, {transform_indices = #map}]} {
    %mul3A = arith.constant 2 : i32
    %mul3A_0 = arith.muli %arg1, %mul3A : i32
    %add3A = arith.addi %mul3A_0, %arg0 : i32
    %mul3A_1 = arith.constant 25600 : i32
    %mul3A_2 = arith.muli %add3A, %mul3A_1 : i32
    "tpu.region"() ({
      %run_scoped3A = tpu.sem_alloc : memref<!tpu.dma_semaphore, #tpu.memory_space<semaphore_mem>>
      %dma_start3A_55 = arith.constant 0 : i32
      %dma_start3A_56 = arith.constant 0 : i32
      %dma_start3A_57 = tpu.memref_slice %arg4[%add3A, %dma_start3A_55, %dma_start3A_56] : memref<32x200x128xi32, #tpu.memory_space<hbm>> -> memref<1x200x128xi32, #tpu.memory_space<hbm>>
      %dma_start3A_58 = tpu.memref_squeeze %dma_start3A_57 : memref<1x200x128xi32, #tpu.memory_space<hbm>> -> memref<200x128xi32, #tpu.memory_space<hbm>>
      %dma_start3A_59 = arith.constant 0 : i32
      %dma_start3A_60 = arith.constant 0 : i32
      %dma_start3A_61 = tpu.memref_slice %arg4[%add3A, %dma_start3A_59, %dma_start3A_60] : memref<32x200x128xi32, #tpu.memory_space<hbm>> -> memref<1x200x128xi32, #tpu.memory_space<hbm>>
      %dma_start3A_62 = tpu.memref_squeeze %dma_start3A_61 : memref<1x200x128xi32, #tpu.memory_space<hbm>> -> memref<200x128xi32, #tpu.memory_space<hbm>>
      tpu.enqueue_dma source(%dma_start3A_62 : memref<200x128xi32, #tpu.memory_space<hbm>>) target(%arg7 : memref<200x128xi32, #tpu.memory_space<vmem>>) target_semaphore(%run_scoped3A : memref<!tpu.dma_semaphore, #tpu.memory_space<semaphore_mem>>)
      %dma_wait3A = arith.constant 0 : i32
      %dma_wait3A_63 = arith.constant 0 : i32
      %dma_wait3A_64 = tpu.memref_slice %arg4[%add3A, %dma_wait3A, %dma_wait3A_63] : memref<32x200x128xi32, #tpu.memory_space<hbm>> -> memref<1x200x128xi32, #tpu.memory_space<hbm>>
      %dma_wait3A_65 = tpu.memref_squeeze %dma_wait3A_64 : memref<1x200x128xi32, #tpu.memory_space<hbm>> -> memref<200x128xi32, #tpu.memory_space<hbm>>
      %dma_wait3A_66 = arith.constant 0 : i32
      %dma_wait3A_67 = arith.constant 0 : i32
      %dma_wait3A_68 = tpu.memref_slice %arg4[%add3A, %dma_wait3A_66, %dma_wait3A_67] : memref<32x200x128xi32, #tpu.memory_space<hbm>> -> memref<1x200x128xi32, #tpu.memory_space<hbm>>
      %dma_wait3A_69 = tpu.memref_squeeze %dma_wait3A_68 : memref<1x200x128xi32, #tpu.memory_space<hbm>> -> memref<200x128xi32, #tpu.memory_space<hbm>>
      tpu.wait_dma2 semaphore(%run_scoped3A : memref<!tpu.dma_semaphore, #tpu.memory_space<semaphore_mem>>) src(%dma_wait3A_69 : memref<200x128xi32, #tpu.memory_space<hbm>>) dst(%arg7 : memref<200x128xi32, #tpu.memory_space<vmem>>)
      tpu.yield
    }) : () -> ()
    "tpu.region"() ({
      %run_scoped3A = tpu.sem_alloc : memref<!tpu.dma_semaphore, #tpu.memory_space<semaphore_mem>>
      %dma_start3A_55 = arith.constant 0 : i32
      %dma_start3A_56 = arith.constant 0 : i32
      %dma_start3A_57 = tpu.memref_slice %arg5[%add3A, %dma_start3A_55, %dma_start3A_56] : memref<32x200x128xi32, #tpu.memory_space<hbm>> -> memref<1x200x128xi32, #tpu.memory_space<hbm>>
      %dma_start3A_58 = tpu.memref_squeeze %dma_start3A_57 : memref<1x200x128xi32, #tpu.memory_space<hbm>> -> memref<200x128xi32, #tpu.memory_space<hbm>>
      %dma_start3A_59 = arith.constant 0 : i32
      %dma_start3A_60 = arith.constant 0 : i32
      %dma_start3A_61 = tpu.memref_slice %arg5[%add3A, %dma_start3A_59, %dma_start3A_60] : memref<32x200x128xi32, #tpu.memory_space<hbm>> -> memref<1x200x128xi32, #tpu.memory_space<hbm>>
      %dma_start3A_62 = tpu.memref_squeeze %dma_start3A_61 : memref<1x200x128xi32, #tpu.memory_space<hbm>> -> memref<200x128xi32, #tpu.memory_space<hbm>>
      tpu.enqueue_dma source(%dma_start3A_62 : memref<200x128xi32, #tpu.memory_space<hbm>>) target(%arg8 : memref<200x128xi32, #tpu.memory_space<vmem>>) target_semaphore(%run_scoped3A : memref<!tpu.dma_semaphore, #tpu.memory_space<semaphore_mem>>)
      %dma_wait3A = arith.constant 0 : i32
      %dma_wait3A_63 = arith.constant 0 : i32
      %dma_wait3A_64 = tpu.memref_slice %arg5[%add3A, %dma_wait3A, %dma_wait3A_63] : memref<32x200x128xi32, #tpu.memory_space<hbm>> -> memref<1x200x128xi32, #tpu.memory_space<hbm>>
      %dma_wait3A_65 = tpu.memref_squeeze %dma_wait3A_64 : memref<1x200x128xi32, #tpu.memory_space<hbm>> -> memref<200x128xi32, #tpu.memory_space<hbm>>
      %dma_wait3A_66 = arith.constant 0 : i32
      %dma_wait3A_67 = arith.constant 0 : i32
      %dma_wait3A_68 = tpu.memref_slice %arg5[%add3A, %dma_wait3A_66, %dma_wait3A_67] : memref<32x200x128xi32, #tpu.memory_space<hbm>> -> memref<1x200x128xi32, #tpu.memory_space<hbm>>
      %dma_wait3A_69 = tpu.memref_squeeze %dma_wait3A_68 : memref<1x200x128xi32, #tpu.memory_space<hbm>> -> memref<200x128xi32, #tpu.memory_space<hbm>>
      tpu.wait_dma2 semaphore(%run_scoped3A : memref<!tpu.dma_semaphore, #tpu.memory_space<semaphore_mem>>) src(%dma_wait3A_69 : memref<200x128xi32, #tpu.memory_space<hbm>>) dst(%arg8 : memref<200x128xi32, #tpu.memory_space<vmem>>)
      tpu.yield
    }) : () -> ()
    %dma_start3A = arith.constant 0 : i32
    %dma_start3A_3 = arith.constant 0 : i32
    %dma_start3A_4 = arith.constant 0 : i32
    %dma_start3A_5 = arith.constant 0 : i32
    %dma_start3A_6 = tpu.memref_slice %arg9[%dma_start3A_3, %dma_start3A_4, %dma_start3A_5] : memref<2x128x64xf32, #tpu.memory_space<vmem>> -> memref<1x128x64xf32, #tpu.memory_space<vmem>>
    %dma_start3A_7 = tpu.memref_squeeze %dma_start3A_6 : memref<1x128x64xf32, #tpu.memory_space<vmem>> -> memref<128x64xf32, #tpu.memory_space<vmem>>
    %dma_start3A_8 = arith.constant 0 : i32
    %dma_start3A_9 = tpu.memref_slice %arg7[%dma_start3A, %dma_start3A_8] : memref<200x128xi32, #tpu.memory_space<vmem>> -> memref<1x128xi32, #tpu.memory_space<vmem>>
    %dma_start3A_10 = tpu.memref_squeeze %dma_start3A_9 : memref<1x128xi32, #tpu.memory_space<vmem>> -> memref<128xi32, #tpu.memory_space<vmem>>
    %dma_start3A_11 = arith.constant 0 : i32
    %dma_start3A_12 = arith.constant 0 : i32
    %dma_start3A_13 = tpu.memref_slice %arg2[%dma_start3A_11, %dma_start3A_12] : memref<1015808x64xf32, #tpu.memory_space<hbm>> -> memref<1015808x64xf32, #tpu.memory_space<hbm>>
    tpu.enqueue_indirect_dma source(%dma_start3A_13 : memref<1015808x64xf32, #tpu.memory_space<hbm>>) target(%dma_start3A_7 : memref<128x64xf32, #tpu.memory_space<vmem>>) offsets(%dma_start3A_10 : memref<128xi32, #tpu.memory_space<vmem>>) semaphore(%arg11 : memref<!tpu.dma_semaphore, #tpu.memory_space<semaphore_mem>>)
    %dma_start3A_14 = arith.constant 0 : i32
    %dma_start3A_15 = arith.constant 0 : i32
    %dma_start3A_16 = arith.constant 0 : i32
    %dma_start3A_17 = arith.constant 0 : i32
    %dma_start3A_18 = tpu.memref_slice %arg10[%dma_start3A_15, %dma_start3A_16, %dma_start3A_17] : memref<2x128x64xf32, #tpu.memory_space<vmem>> -> memref<1x128x64xf32, #tpu.memory_space<vmem>>
    %dma_start3A_19 = tpu.memref_squeeze %dma_start3A_18 : memref<1x128x64xf32, #tpu.memory_space<vmem>> -> memref<128x64xf32, #tpu.memory_space<vmem>>
    %dma_start3A_20 = arith.constant 0 : i32
    %dma_start3A_21 = tpu.memref_slice %arg8[%dma_start3A_14, %dma_start3A_20] : memref<200x128xi32, #tpu.memory_space<vmem>> -> memref<1x128xi32, #tpu.memory_space<vmem>>
    %dma_start3A_22 = tpu.memref_squeeze %dma_start3A_21 : memref<1x128xi32, #tpu.memory_space<vmem>> -> memref<128xi32, #tpu.memory_space<vmem>>
    %dma_start3A_23 = arith.constant 0 : i32
    %dma_start3A_24 = arith.constant 0 : i32
    %dma_start3A_25 = tpu.memref_slice %arg3[%dma_start3A_23, %dma_start3A_24] : memref<16384x64xf32, #tpu.memory_space<hbm>> -> memref<16384x64xf32, #tpu.memory_space<hbm>>
    tpu.enqueue_indirect_dma source(%dma_start3A_25 : memref<16384x64xf32, #tpu.memory_space<hbm>>) target(%dma_start3A_19 : memref<128x64xf32, #tpu.memory_space<vmem>>) offsets(%dma_start3A_22 : memref<128xi32, #tpu.memory_space<vmem>>) semaphore(%arg11 : memref<!tpu.dma_semaphore, #tpu.memory_space<semaphore_mem>>)
    %dma_start3A_26 = arith.constant 1 : i32
    %dma_start3A_27 = arith.constant 1 : i32
    %dma_start3A_28 = arith.constant 0 : i32
    %dma_start3A_29 = arith.constant 0 : i32
    %dma_start3A_30 = tpu.memref_slice %arg9[%dma_start3A_27, %dma_start3A_28, %dma_start3A_29] : memref<2x128x64xf32, #tpu.memory_space<vmem>> -> memref<1x128x64xf32, #tpu.memory_space<vmem>>
    %dma_start3A_31 = tpu.memref_squeeze %dma_start3A_30 : memref<1x128x64xf32, #tpu.memory_space<vmem>> -> memref<128x64xf32, #tpu.memory_space<vmem>>
    %dma_start3A_32 = arith.constant 0 : i32
    %dma_start3A_33 = tpu.memref_slice %arg7[%dma_start3A_26, %dma_start3A_32] : memref<200x128xi32, #tpu.memory_space<vmem>> -> memref<1x128xi32, #tpu.memory_space<vmem>>
    %dma_start3A_34 = tpu.memref_squeeze %dma_start3A_33 : memref<1x128xi32, #tpu.memory_space<vmem>> -> memref<128xi32, #tpu.memory_space<vmem>>
    %dma_start3A_35 = arith.constant 0 : i32
    %dma_start3A_36 = arith.constant 0 : i32
    %dma_start3A_37 = tpu.memref_slice %arg2[%dma_start3A_35, %dma_start3A_36] : memref<1015808x64xf32, #tpu.memory_space<hbm>> -> memref<1015808x64xf32, #tpu.memory_space<hbm>>
    tpu.enqueue_indirect_dma source(%dma_start3A_37 : memref<1015808x64xf32, #tpu.memory_space<hbm>>) target(%dma_start3A_31 : memref<128x64xf32, #tpu.memory_space<vmem>>) offsets(%dma_start3A_34 : memref<128xi32, #tpu.memory_space<vmem>>) semaphore(%arg12 : memref<!tpu.dma_semaphore, #tpu.memory_space<semaphore_mem>>)
    %dma_start3A_38 = arith.constant 1 : i32
    %dma_start3A_39 = arith.constant 1 : i32
    %dma_start3A_40 = arith.constant 0 : i32
    %dma_start3A_41 = arith.constant 0 : i32
    %dma_start3A_42 = tpu.memref_slice %arg10[%dma_start3A_39, %dma_start3A_40, %dma_start3A_41] : memref<2x128x64xf32, #tpu.memory_space<vmem>> -> memref<1x128x64xf32, #tpu.memory_space<vmem>>
    %dma_start3A_43 = tpu.memref_squeeze %dma_start3A_42 : memref<1x128x64xf32, #tpu.memory_space<vmem>> -> memref<128x64xf32, #tpu.memory_space<vmem>>
    %dma_start3A_44 = arith.constant 0 : i32
    %dma_start3A_45 = tpu.memref_slice %arg8[%dma_start3A_38, %dma_start3A_44] : memref<200x128xi32, #tpu.memory_space<vmem>> -> memref<1x128xi32, #tpu.memory_space<vmem>>
    %dma_start3A_46 = tpu.memref_squeeze %dma_start3A_45 : memref<1x128xi32, #tpu.memory_space<vmem>> -> memref<128xi32, #tpu.memory_space<vmem>>
    %dma_start3A_47 = arith.constant 0 : i32
    %dma_start3A_48 = arith.constant 0 : i32
    %dma_start3A_49 = tpu.memref_slice %arg3[%dma_start3A_47, %dma_start3A_48] : memref<16384x64xf32, #tpu.memory_space<hbm>> -> memref<16384x64xf32, #tpu.memory_space<hbm>>
    tpu.enqueue_indirect_dma source(%dma_start3A_49 : memref<16384x64xf32, #tpu.memory_space<hbm>>) target(%dma_start3A_43 : memref<128x64xf32, #tpu.memory_space<vmem>>) offsets(%dma_start3A_46 : memref<128xi32, #tpu.memory_space<vmem>>) semaphore(%arg12 : memref<!tpu.dma_semaphore, #tpu.memory_space<semaphore_mem>>)
    %scan3A = arith.constant 0 : i32
    %scan3A_50 = arith.constant 0 : i32
    %scan3A_51 = arith.constant 100 : i32
    %scan3A_52 = arith.addi %scan3A_50, %scan3A_51 : i32
    %scan3A_53 = arith.constant 1 : i32
    scf.for %scan3A_55 = %scan3A_50 to %scan3A_52 step %scan3A_53  : i32 {
      %mul3A_56 = arith.constant 2 : i32
      %mul3A_57 = arith.muli %scan3A_55, %mul3A_56 : i32
      %add3A_58 = arith.constant 0 : i32
      %add3A_59 = arith.addi %mul3A_57, %add3A_58 : i32
      %dma_wait3A = arith.constant 0 : i32
      %dma_wait3A_60 = arith.constant 0 : i32
      %dma_wait3A_61 = arith.constant 0 : i32
      %dma_wait3A_62 = tpu.memref_slice %arg9[%dma_wait3A, %dma_wait3A_60, %dma_wait3A_61] : memref<2x128x64xf32, #tpu.memory_space<vmem>> -> memref<1x128x64xf32, #tpu.memory_space<vmem>>
      %dma_wait3A_63 = tpu.memref_squeeze %dma_wait3A_62 : memref<1x128x64xf32, #tpu.memory_space<vmem>> -> memref<128x64xf32, #tpu.memory_space<vmem>>
      %dma_wait3A_64 = arith.constant 0 : i32
      %dma_wait3A_65 = tpu.memref_slice %arg7[%add3A_59, %dma_wait3A_64] : memref<200x128xi32, #tpu.memory_space<vmem>> -> memref<1x128xi32, #tpu.memory_space<vmem>>
      %dma_wait3A_66 = tpu.memref_squeeze %dma_wait3A_65 : memref<1x128xi32, #tpu.memory_space<vmem>> -> memref<128xi32, #tpu.memory_space<vmem>>
      %dma_wait3A_67 = arith.constant 0 : i32
      %dma_wait3A_68 = arith.constant 0 : i32
      %dma_wait3A_69 = tpu.memref_slice %arg2[%dma_wait3A_67, %dma_wait3A_68] : memref<1015808x64xf32, #tpu.memory_space<hbm>> -> memref<1015808x64xf32, #tpu.memory_space<hbm>>
      tpu.wait_indirect_dma semaphore(%arg11 : memref<!tpu.dma_semaphore, #tpu.memory_space<semaphore_mem>>) src(%dma_wait3A_69 : memref<1015808x64xf32, #tpu.memory_space<hbm>>) dst(%dma_wait3A_63 : memref<128x64xf32, #tpu.memory_space<vmem>>)
      %dma_wait3A_70 = arith.constant 0 : i32
      %dma_wait3A_71 = arith.constant 0 : i32
      %dma_wait3A_72 = arith.constant 0 : i32
      %dma_wait3A_73 = tpu.memref_slice %arg10[%dma_wait3A_70, %dma_wait3A_71, %dma_wait3A_72] : memref<2x128x64xf32, #tpu.memory_space<vmem>> -> memref<1x128x64xf32, #tpu.memory_space<vmem>>
      %dma_wait3A_74 = tpu.memref_squeeze %dma_wait3A_73 : memref<1x128x64xf32, #tpu.memory_space<vmem>> -> memref<128x64xf32, #tpu.memory_space<vmem>>
      %dma_wait3A_75 = arith.constant 0 : i32
      %dma_wait3A_76 = tpu.memref_slice %arg8[%add3A_59, %dma_wait3A_75] : memref<200x128xi32, #tpu.memory_space<vmem>> -> memref<1x128xi32, #tpu.memory_space<vmem>>
      %dma_wait3A_77 = tpu.memref_squeeze %dma_wait3A_76 : memref<1x128xi32, #tpu.memory_space<vmem>> -> memref<128xi32, #tpu.memory_space<vmem>>
      %dma_wait3A_78 = arith.constant 0 : i32
      %dma_wait3A_79 = arith.constant 0 : i32
      %dma_wait3A_80 = tpu.memref_slice %arg3[%dma_wait3A_78, %dma_wait3A_79] : memref<16384x64xf32, #tpu.memory_space<hbm>> -> memref<16384x64xf32, #tpu.memory_space<hbm>>
      tpu.wait_indirect_dma semaphore(%arg11 : memref<!tpu.dma_semaphore, #tpu.memory_space<semaphore_mem>>) src(%dma_wait3A_80 : memref<16384x64xf32, #tpu.memory_space<hbm>>) dst(%dma_wait3A_74 : memref<128x64xf32, #tpu.memory_space<vmem>>)
      %scan3A_81 = arith.constant 0 : i32
      %scan3A_82 = arith.constant 128 : i32
      %scan3A_83 = arith.addi %scan3A_81, %scan3A_82 : i32
      %scan3A_84 = arith.constant 1 : i32
      scf.for %scan3A_135 = %scan3A_81 to %scan3A_83 step %scan3A_84  : i32 {
        %get3A = arith.constant 0 : i32
        %get3A_136 = arith.index_cast %get3A : i32 to index
        %get3A_137 = arith.index_cast %scan3A_135 : i32 to index
        %get3A_138 = arith.constant 0 : index
        %get3A_139 = tpu.vector_load %arg10[%get3A_136, %get3A_137, %get3A_138] {strides = array<i32>} : memref<2x128x64xf32, #tpu.memory_space<vmem>>, vector<1x1x16xf32>,
        %get3A_140 = vector.shape_cast %get3A_139 : vector<1x1x16xf32> to vector<16xf32>
        %swap3A = arith.constant 0 : i32
        %swap3A_141 = arith.index_cast %swap3A : i32 to index
        %swap3A_142 = arith.index_cast %scan3A_135 : i32 to index
        %swap3A_143 = arith.constant 0 : index
        %swap3A_144 = tpu.vector_load %arg9[%swap3A_141, %swap3A_142, %swap3A_143] {strides = array<i32>} : memref<2x128x64xf32, #tpu.memory_space<vmem>>, vector<1x1x16xf32>,
        %swap3A_145 = vector.shape_cast %swap3A_144 : vector<1x1x16xf32> to vector<16xf32>
        %swap3A_146 = vector.shape_cast %get3A_140 : vector<16xf32> to vector<1x1x16xf32>
        tpu.vector_store %arg9[%swap3A_141, %swap3A_142, %swap3A_143], %swap3A_146 {add = true, strides = array<i32>} : memref<2x128x64xf32, #tpu.memory_space<vmem>>, vector<1x1x16xf32>,
        %get3A_147 = arith.constant 0 : i32
        %get3A_148 = arith.index_cast %get3A_147 : i32 to index
        %get3A_149 = arith.index_cast %scan3A_135 : i32 to index
        %get3A_150 = arith.constant 16 : index
        %get3A_151 = tpu.vector_load %arg10[%get3A_148, %get3A_149, %get3A_150] {strides = array<i32>} : memref<2x128x64xf32, #tpu.memory_space<vmem>>, vector<1x1x16xf32>,
        %get3A_152 = vector.shape_cast %get3A_151 : vector<1x1x16xf32> to vector<16xf32>
        %swap3A_153 = arith.constant 0 : i32
        %swap3A_154 = arith.index_cast %swap3A_153 : i32 to index
        %swap3A_155 = arith.index_cast %scan3A_135 : i32 to index
        %swap3A_156 = arith.constant 16 : index
        %swap3A_157 = tpu.vector_load %arg9[%swap3A_154, %swap3A_155, %swap3A_156] {strides = array<i32>} : memref<2x128x64xf32, #tpu.memory_space<vmem>>, vector<1x1x16xf32>,
        %swap3A_158 = vector.shape_cast %swap3A_157 : vector<1x1x16xf32> to vector<16xf32>
        %swap3A_159 = vector.shape_cast %get3A_152 : vector<16xf32> to vector<1x1x16xf32>
        tpu.vector_store %arg9[%swap3A_154, %swap3A_155, %swap3A_156], %swap3A_159 {add = true, strides = array<i32>} : memref<2x128x64xf32, #tpu.memory_space<vmem>>, vector<1x1x16xf32>,
        %get3A_160 = arith.constant 0 : i32
        %get3A_161 = arith.index_cast %get3A_160 : i32 to index
        %get3A_162 = arith.index_cast %scan3A_135 : i32 to index
        %get3A_163 = arith.constant 32 : index
        %get3A_164 = tpu.vector_load %arg10[%get3A_161, %get3A_162, %get3A_163] {strides = array<i32>} : memref<2x128x64xf32, #tpu.memory_space<vmem>>, vector<1x1x16xf32>,
        %get3A_165 = vector.shape_cast %get3A_164 : vector<1x1x16xf32> to vector<16xf32>
        %swap3A_166 = arith.constant 0 : i32
        %swap3A_167 = arith.index_cast %swap3A_166 : i32 to index
        %swap3A_168 = arith.index_cast %scan3A_135 : i32 to index
        %swap3A_169 = arith.constant 32 : index
        %swap3A_170 = tpu.vector_load %arg9[%swap3A_167, %swap3A_168, %swap3A_169] {strides = array<i32>} : memref<2x128x64xf32, #tpu.memory_space<vmem>>, vector<1x1x16xf32>,
        %swap3A_171 = vector.shape_cast %swap3A_170 : vector<1x1x16xf32> to vector<16xf32>
        %swap3A_172 = vector.shape_cast %get3A_165 : vector<16xf32> to vector<1x1x16xf32>
        tpu.vector_store %arg9[%swap3A_167, %swap3A_168, %swap3A_169], %swap3A_172 {add = true, strides = array<i32>} : memref<2x128x64xf32, #tpu.memory_space<vmem>>, vector<1x1x16xf32>,
        %get3A_173 = arith.constant 0 : i32
        %get3A_174 = arith.index_cast %get3A_173 : i32 to index
        %get3A_175 = arith.index_cast %scan3A_135 : i32 to index
        %get3A_176 = arith.constant 48 : index
        %get3A_177 = tpu.vector_load %arg10[%get3A_174, %get3A_175, %get3A_176] {strides = array<i32>} : memref<2x128x64xf32, #tpu.memory_space<vmem>>, vector<1x1x16xf32>,
        %get3A_178 = vector.shape_cast %get3A_177 : vector<1x1x16xf32> to vector<16xf32>
        %swap3A_179 = arith.constant 0 : i32
        %swap3A_180 = arith.index_cast %swap3A_179 : i32 to index
        %swap3A_181 = arith.index_cast %scan3A_135 : i32 to index
        %swap3A_182 = arith.constant 48 : index
        %swap3A_183 = tpu.vector_load %arg9[%swap3A_180, %swap3A_181, %swap3A_182] {strides = array<i32>} : memref<2x128x64xf32, #tpu.memory_space<vmem>>, vector<1x1x16xf32>,
        %swap3A_184 = vector.shape_cast %swap3A_183 : vector<1x1x16xf32> to vector<16xf32>
        %swap3A_185 = vector.shape_cast %get3A_178 : vector<16xf32> to vector<1x1x16xf32>
        tpu.vector_store %arg9[%swap3A_180, %swap3A_181, %swap3A_182], %swap3A_185 {add = true, strides = array<i32>} : memref<2x128x64xf32, #tpu.memory_space<vmem>>, vector<1x1x16xf32>,
      }
      %scan3A_85 = arith.constant 128 : i32
      %mul3A_86 = arith.constant 128 : i32
      %mul3A_87 = arith.muli %add3A_59, %mul3A_86 : i32
      %add3A_88 = arith.addi %mul3A_2, %mul3A_87 : i32
      %run_scoped3A = arith.constant 0 : i32
      "tpu.region"() ({
        %run_scoped3A_135 = tpu.sem_alloc : memref<!tpu.dma_semaphore, #tpu.memory_space<semaphore_mem>>
        %dma_start3A_136 = arith.constant 0 : i32
        %dma_start3A_137 = arith.constant 0 : i32
        %dma_start3A_138 = tpu.memref_slice %arg9[%run_scoped3A, %dma_start3A_136, %dma_start3A_137] : memref<2x128x64xf32, #tpu.memory_space<vmem>> -> memref<1x128x64xf32, #tpu.memory_space<vmem>>
        %dma_start3A_139 = tpu.memref_squeeze %dma_start3A_138 : memref<1x128x64xf32, #tpu.memory_space<vmem>> -> memref<128x64xf32, #tpu.memory_space<vmem>>
        %dma_start3A_140 = arith.constant 0 : i32
        %dma_start3A_141 = tpu.memref_slice %arg6[%add3A_88, %dma_start3A_140] : memref<819200x64xf32, #tpu.memory_space<hbm>> -> memref<128x64xf32, #tpu.memory_space<hbm>>
        %dma_start3A_142 = arith.constant 0 : i32
        %dma_start3A_143 = tpu.memref_slice %arg6[%add3A_88, %dma_start3A_142] : memref<819200x64xf32, #tpu.memory_space<hbm>> -> memref<128x64xf32, #tpu.memory_space<hbm>>
        %dma_start3A_144 = arith.constant 0 : i32
        %dma_start3A_145 = arith.constant 0 : i32
        %dma_start3A_146 = tpu.memref_slice %arg9[%run_scoped3A, %dma_start3A_144, %dma_start3A_145] : memref<2x128x64xf32, #tpu.memory_space<vmem>> -> memref<1x128x64xf32, #tpu.memory_space<vmem>>
        %dma_start3A_147 = tpu.memref_squeeze %dma_start3A_146 : memref<1x128x64xf32, #tpu.memory_space<vmem>> -> memref<128x64xf32, #tpu.memory_space<vmem>>
        tpu.enqueue_dma source(%dma_start3A_147 : memref<128x64xf32, #tpu.memory_space<vmem>>) target(%dma_start3A_143 : memref<128x64xf32, #tpu.memory_space<hbm>>) target_semaphore(%run_scoped3A_135 : memref<!tpu.dma_semaphore, #tpu.memory_space<semaphore_mem>>)
        %dma_wait3A_148 = arith.constant 0 : i32
        %dma_wait3A_149 = arith.constant 0 : i32
        %dma_wait3A_150 = tpu.memref_slice %arg9[%run_scoped3A, %dma_wait3A_148, %dma_wait3A_149] : memref<2x128x64xf32, #tpu.memory_space<vmem>> -> memref<1x128x64xf32, #tpu.memory_space<vmem>>
        %dma_wait3A_151 = tpu.memref_squeeze %dma_wait3A_150 : memref<1x128x64xf32, #tpu.memory_space<vmem>> -> memref<128x64xf32, #tpu.memory_space<vmem>>
        %dma_wait3A_152 = arith.constant 0 : i32
        %dma_wait3A_153 = tpu.memref_slice %arg6[%add3A_88, %dma_wait3A_152] : memref<819200x64xf32, #tpu.memory_space<hbm>> -> memref<128x64xf32, #tpu.memory_space<hbm>>
        %dma_wait3A_154 = arith.constant 0 : i32
        %dma_wait3A_155 = tpu.memref_slice %arg6[%add3A_88, %dma_wait3A_154] : memref<819200x64xf32, #tpu.memory_space<hbm>> -> memref<128x64xf32, #tpu.memory_space<hbm>>
        %dma_wait3A_156 = arith.constant 0 : i32
        %dma_wait3A_157 = arith.constant 0 : i32
        %dma_wait3A_158 = tpu.memref_slice %arg9[%run_scoped3A, %dma_wait3A_156, %dma_wait3A_157] : memref<2x128x64xf32, #tpu.memory_space<vmem>> -> memref<1x128x64xf32, #tpu.memory_space<vmem>>
        %dma_wait3A_159 = tpu.memref_squeeze %dma_wait3A_158 : memref<1x128x64xf32, #tpu.memory_space<vmem>> -> memref<128x64xf32, #tpu.memory_space<vmem>>
        tpu.wait_dma2 semaphore(%run_scoped3A_135 : memref<!tpu.dma_semaphore, #tpu.memory_space<semaphore_mem>>) src(%dma_wait3A_159 : memref<128x64xf32, #tpu.memory_space<vmem>>) dst(%dma_wait3A_155 : memref<128x64xf32, #tpu.memory_space<hbm>>)
        tpu.yield
      }) : () -> ()
      %add3A_89 = arith.constant 2 : i32
      %add3A_90 = arith.addi %add3A_59, %add3A_89 : i32
      %lt3A = arith.constant 200 : i32
      %lt3A_91 = arith.cmpi slt, %add3A_90, %lt3A : i32
      %convert_element_type3A = arith.extui %lt3A_91 : i1 to i32
      %cond3A = arith.constant 0 : i32
      %cond3A_92 = arith.cmpi ne, %convert_element_type3A, %cond3A : i32
      scf.if %cond3A_92 {
        %add3A_135 = arith.constant 2 : i32
        %add3A_136 = arith.addi %add3A_59, %add3A_135 : i32
        %dma_start3A_137 = arith.constant 0 : i32
        %dma_start3A_138 = arith.constant 0 : i32
        %dma_start3A_139 = arith.constant 0 : i32
        %dma_start3A_140 = tpu.memref_slice %arg9[%dma_start3A_137, %dma_start3A_138, %dma_start3A_139] : memref<2x128x64xf32, #tpu.memory_space<vmem>> -> memref<1x128x64xf32, #tpu.memory_space<vmem>>
        %dma_start3A_141 = tpu.memref_squeeze %dma_start3A_140 : memref<1x128x64xf32, #tpu.memory_space<vmem>> -> memref<128x64xf32, #tpu.memory_space<vmem>>
        %dma_start3A_142 = arith.constant 0 : i32
        %dma_start3A_143 = tpu.memref_slice %arg7[%add3A_136, %dma_start3A_142] : memref<200x128xi32, #tpu.memory_space<vmem>> -> memref<1x128xi32, #tpu.memory_space<vmem>>
        %dma_start3A_144 = tpu.memref_squeeze %dma_start3A_143 : memref<1x128xi32, #tpu.memory_space<vmem>> -> memref<128xi32, #tpu.memory_space<vmem>>
        %dma_start3A_145 = arith.constant 0 : i32
        %dma_start3A_146 = arith.constant 0 : i32
        %dma_start3A_147 = tpu.memref_slice %arg2[%dma_start3A_145, %dma_start3A_146] : memref<1015808x64xf32, #tpu.memory_space<hbm>> -> memref<1015808x64xf32, #tpu.memory_space<hbm>>
        tpu.enqueue_indirect_dma source(%dma_start3A_147 : memref<1015808x64xf32, #tpu.memory_space<hbm>>) target(%dma_start3A_141 : memref<128x64xf32, #tpu.memory_space<vmem>>) offsets(%dma_start3A_144 : memref<128xi32, #tpu.memory_space<vmem>>) semaphore(%arg11 : memref<!tpu.dma_semaphore, #tpu.memory_space<semaphore_mem>>)
        %dma_start3A_148 = arith.constant 0 : i32
        %dma_start3A_149 = arith.constant 0 : i32
        %dma_start3A_150 = arith.constant 0 : i32
        %dma_start3A_151 = tpu.memref_slice %arg10[%dma_start3A_148, %dma_start3A_149, %dma_start3A_150] : memref<2x128x64xf32, #tpu.memory_space<vmem>> -> memref<1x128x64xf32, #tpu.memory_space<vmem>>
        %dma_start3A_152 = tpu.memref_squeeze %dma_start3A_151 : memref<1x128x64xf32, #tpu.memory_space<vmem>> -> memref<128x64xf32, #tpu.memory_space<vmem>>
        %dma_start3A_153 = arith.constant 0 : i32
        %dma_start3A_154 = tpu.memref_slice %arg8[%add3A_136, %dma_start3A_153] : memref<200x128xi32, #tpu.memory_space<vmem>> -> memref<1x128xi32, #tpu.memory_space<vmem>>
        %dma_start3A_155 = tpu.memref_squeeze %dma_start3A_154 : memref<1x128xi32, #tpu.memory_space<vmem>> -> memref<128xi32, #tpu.memory_space<vmem>>
        %dma_start3A_156 = arith.constant 0 : i32
        %dma_start3A_157 = arith.constant 0 : i32
        %dma_start3A_158 = tpu.memref_slice %arg3[%dma_start3A_156, %dma_start3A_157] : memref<16384x64xf32, #tpu.memory_space<hbm>> -> memref<16384x64xf32, #tpu.memory_space<hbm>>
        tpu.enqueue_indirect_dma source(%dma_start3A_158 : memref<16384x64xf32, #tpu.memory_space<hbm>>) target(%dma_start3A_152 : memref<128x64xf32, #tpu.memory_space<vmem>>) offsets(%dma_start3A_155 : memref<128xi32, #tpu.memory_space<vmem>>) semaphore(%arg11 : memref<!tpu.dma_semaphore, #tpu.memory_space<semaphore_mem>>)
      } else {
      }
      %mul3A_93 = arith.constant 2 : i32
      %mul3A_94 = arith.muli %scan3A_55, %mul3A_93 : i32
      %add3A_95 = arith.constant 1 : i32
      %add3A_96 = arith.addi %mul3A_94, %add3A_95 : i32
      %dma_wait3A_97 = arith.constant 1 : i32
      %dma_wait3A_98 = arith.constant 0 : i32
      %dma_wait3A_99 = arith.constant 0 : i32
      %dma_wait3A_100 = tpu.memref_slice %arg9[%dma_wait3A_97, %dma_wait3A_98, %dma_wait3A_99] : memref<2x128x64xf32, #tpu.memory_space<vmem>> -> memref<1x128x64xf32, #tpu.memory_space<vmem>>
      %dma_wait3A_101 = tpu.memref_squeeze %dma_wait3A_100 : memref<1x128x64xf32, #tpu.memory_space<vmem>> -> memref<128x64xf32, #tpu.memory_space<vmem>>
      %dma_wait3A_102 = arith.constant 0 : i32
      %dma_wait3A_103 = tpu.memref_slice %arg7[%add3A_96, %dma_wait3A_102] : memref<200x128xi32, #tpu.memory_space<vmem>> -> memref<1x128xi32, #tpu.memory_space<vmem>>
      %dma_wait3A_104 = tpu.memref_squeeze %dma_wait3A_103 : memref<1x128xi32, #tpu.memory_space<vmem>> -> memref<128xi32, #tpu.memory_space<vmem>>
      %dma_wait3A_105 = arith.constant 0 : i32
      %dma_wait3A_106 = arith.constant 0 : i32
      %dma_wait3A_107 = tpu.memref_slice %arg2[%dma_wait3A_105, %dma_wait3A_106] : memref<1015808x64xf32, #tpu.memory_space<hbm>> -> memref<1015808x64xf32, #tpu.memory_space<hbm>>
      tpu.wait_indirect_dma semaphore(%arg12 : memref<!tpu.dma_semaphore, #tpu.memory_space<semaphore_mem>>) src(%dma_wait3A_107 : memref<1015808x64xf32, #tpu.memory_space<hbm>>) dst(%dma_wait3A_101 : memref<128x64xf32, #tpu.memory_space<vmem>>)
      %dma_wait3A_108 = arith.constant 1 : i32
      %dma_wait3A_109 = arith.constant 0 : i32
      %dma_wait3A_110 = arith.constant 0 : i32
      %dma_wait3A_111 = tpu.memref_slice %arg10[%dma_wait3A_108, %dma_wait3A_109, %dma_wait3A_110] : memref<2x128x64xf32, #tpu.memory_space<vmem>> -> memref<1x128x64xf32, #tpu.memory_space<vmem>>
      %dma_wait3A_112 = tpu.memref_squeeze %dma_wait3A_111 : memref<1x128x64xf32, #tpu.memory_space<vmem>> -> memref<128x64xf32, #tpu.memory_space<vmem>>
      %dma_wait3A_113 = arith.constant 0 : i32
      %dma_wait3A_114 = tpu.memref_slice %arg8[%add3A_96, %dma_wait3A_113] : memref<200x128xi32, #tpu.memory_space<vmem>> -> memref<1x128xi32, #tpu.memory_space<vmem>>
      %dma_wait3A_115 = tpu.memref_squeeze %dma_wait3A_114 : memref<1x128xi32, #tpu.memory_space<vmem>> -> memref<128xi32, #tpu.memory_space<vmem>>
      %dma_wait3A_116 = arith.constant 0 : i32
      %dma_wait3A_117 = arith.constant 0 : i32
      %dma_wait3A_118 = tpu.memref_slice %arg3[%dma_wait3A_116, %dma_wait3A_117] : memref<16384x64xf32, #tpu.memory_space<hbm>> -> memref<16384x64xf32, #tpu.memory_space<hbm>>
      tpu.wait_indirect_dma semaphore(%arg12 : memref<!tpu.dma_semaphore, #tpu.memory_space<semaphore_mem>>) src(%dma_wait3A_118 : memref<16384x64xf32, #tpu.memory_space<hbm>>) dst(%dma_wait3A_112 : memref<128x64xf32, #tpu.memory_space<vmem>>)
      %scan3A_119 = arith.constant 0 : i32
      %scan3A_120 = arith.constant 128 : i32
      %scan3A_121 = arith.addi %scan3A_119, %scan3A_120 : i32
      %scan3A_122 = arith.constant 1 : i32
      scf.for %scan3A_135 = %scan3A_119 to %scan3A_121 step %scan3A_122  : i32 {
        %get3A = arith.constant 1 : i32
        %get3A_136 = arith.index_cast %get3A : i32 to index
        %get3A_137 = arith.index_cast %scan3A_135 : i32 to index
        %get3A_138 = arith.constant 0 : index
        %get3A_139 = tpu.vector_load %arg10[%get3A_136, %get3A_137, %get3A_138] {strides = array<i32>} : memref<2x128x64xf32, #tpu.memory_space<vmem>>, vector<1x1x16xf32>,
        %get3A_140 = vector.shape_cast %get3A_139 : vector<1x1x16xf32> to vector<16xf32>
        %swap3A = arith.constant 1 : i32
        %swap3A_141 = arith.index_cast %swap3A : i32 to index
        %swap3A_142 = arith.index_cast %scan3A_135 : i32 to index
        %swap3A_143 = arith.constant 0 : index
        %swap3A_144 = tpu.vector_load %arg9[%swap3A_141, %swap3A_142, %swap3A_143] {strides = array<i32>} : memref<2x128x64xf32, #tpu.memory_space<vmem>>, vector<1x1x16xf32>,
        %swap3A_145 = vector.shape_cast %swap3A_144 : vector<1x1x16xf32> to vector<16xf32>
        %swap3A_146 = vector.shape_cast %get3A_140 : vector<16xf32> to vector<1x1x16xf32>
        tpu.vector_store %arg9[%swap3A_141, %swap3A_142, %swap3A_143], %swap3A_146 {add = true, strides = array<i32>} : memref<2x128x64xf32, #tpu.memory_space<vmem>>, vector<1x1x16xf32>,
        %get3A_147 = arith.constant 1 : i32
        %get3A_148 = arith.index_cast %get3A_147 : i32 to index
        %get3A_149 = arith.index_cast %scan3A_135 : i32 to index
        %get3A_150 = arith.constant 16 : index
        %get3A_151 = tpu.vector_load %arg10[%get3A_148, %get3A_149, %get3A_150] {strides = array<i32>} : memref<2x128x64xf32, #tpu.memory_space<vmem>>, vector<1x1x16xf32>,
        %get3A_152 = vector.shape_cast %get3A_151 : vector<1x1x16xf32> to vector<16xf32>
        %swap3A_153 = arith.constant 1 : i32
        %swap3A_154 = arith.index_cast %swap3A_153 : i32 to index
        %swap3A_155 = arith.index_cast %scan3A_135 : i32 to index
        %swap3A_156 = arith.constant 16 : index
        %swap3A_157 = tpu.vector_load %arg9[%swap3A_154, %swap3A_155, %swap3A_156] {strides = array<i32>} : memref<2x128x64xf32, #tpu.memory_space<vmem>>, vector<1x1x16xf32>,
        %swap3A_158 = vector.shape_cast %swap3A_157 : vector<1x1x16xf32> to vector<16xf32>
        %swap3A_159 = vector.shape_cast %get3A_152 : vector<16xf32> to vector<1x1x16xf32>
        tpu.vector_store %arg9[%swap3A_154, %swap3A_155, %swap3A_156], %swap3A_159 {add = true, strides = array<i32>} : memref<2x128x64xf32, #tpu.memory_space<vmem>>, vector<1x1x16xf32>,
        %get3A_160 = arith.constant 1 : i32
        %get3A_161 = arith.index_cast %get3A_160 : i32 to index
        %get3A_162 = arith.index_cast %scan3A_135 : i32 to index
        %get3A_163 = arith.constant 32 : index
        %get3A_164 = tpu.vector_load %arg10[%get3A_161, %get3A_162, %get3A_163] {strides = array<i32>} : memref<2x128x64xf32, #tpu.memory_space<vmem>>, vector<1x1x16xf32>,
        %get3A_165 = vector.shape_cast %get3A_164 : vector<1x1x16xf32> to vector<16xf32>
        %swap3A_166 = arith.constant 1 : i32
        %swap3A_167 = arith.index_cast %swap3A_166 : i32 to index
        %swap3A_168 = arith.index_cast %scan3A_135 : i32 to index
        %swap3A_169 = arith.constant 32 : index
        %swap3A_170 = tpu.vector_load %arg9[%swap3A_167, %swap3A_168, %swap3A_169] {strides = array<i32>} : memref<2x128x64xf32, #tpu.memory_space<vmem>>, vector<1x1x16xf32>,
        %swap3A_171 = vector.shape_cast %swap3A_170 : vector<1x1x16xf32> to vector<16xf32>
        %swap3A_172 = vector.shape_cast %get3A_165 : vector<16xf32> to vector<1x1x16xf32>
        tpu.vector_store %arg9[%swap3A_167, %swap3A_168, %swap3A_169], %swap3A_172 {add = true, strides = array<i32>} : memref<2x128x64xf32, #tpu.memory_space<vmem>>, vector<1x1x16xf32>,
        %get3A_173 = arith.constant 1 : i32
        %get3A_174 = arith.index_cast %get3A_173 : i32 to index
        %get3A_175 = arith.index_cast %scan3A_135 : i32 to index
        %get3A_176 = arith.constant 48 : index
        %get3A_177 = tpu.vector_load %arg10[%get3A_174, %get3A_175, %get3A_176] {strides = array<i32>} : memref<2x128x64xf32, #tpu.memory_space<vmem>>, vector<1x1x16xf32>,
        %get3A_178 = vector.shape_cast %get3A_177 : vector<1x1x16xf32> to vector<16xf32>
        %swap3A_179 = arith.constant 1 : i32
        %swap3A_180 = arith.index_cast %swap3A_179 : i32 to index
        %swap3A_181 = arith.index_cast %scan3A_135 : i32 to index
        %swap3A_182 = arith.constant 48 : index
        %swap3A_183 = tpu.vector_load %arg9[%swap3A_180, %swap3A_181, %swap3A_182] {strides = array<i32>} : memref<2x128x64xf32, #tpu.memory_space<vmem>>, vector<1x1x16xf32>,
        %swap3A_184 = vector.shape_cast %swap3A_183 : vector<1x1x16xf32> to vector<16xf32>
        %swap3A_185 = vector.shape_cast %get3A_178 : vector<16xf32> to vector<1x1x16xf32>
        tpu.vector_store %arg9[%swap3A_180, %swap3A_181, %swap3A_182], %swap3A_185 {add = true, strides = array<i32>} : memref<2x128x64xf32, #tpu.memory_space<vmem>>, vector<1x1x16xf32>,
      }
      %scan3A_123 = arith.constant 128 : i32
      %mul3A_124 = arith.constant 128 : i32
      %mul3A_125 = arith.muli %add3A_96, %mul3A_124 : i32
      %add3A_126 = arith.addi %mul3A_2, %mul3A_125 : i32
      %run_scoped3A_127 = arith.constant 1 : i32
      "tpu.region"() ({
        %run_scoped3A_135 = tpu.sem_alloc : memref<!tpu.dma_semaphore, #tpu.memory_space<semaphore_mem>>
        %dma_start3A_136 = arith.constant 0 : i32
        %dma_start3A_137 = arith.constant 0 : i32
        %dma_start3A_138 = tpu.memref_slice %arg9[%run_scoped3A_127, %dma_start3A_136, %dma_start3A_137] : memref<2x128x64xf32, #tpu.memory_space<vmem>> -> memref<1x128x64xf32, #tpu.memory_space<vmem>>
        %dma_start3A_139 = tpu.memref_squeeze %dma_start3A_138 : memref<1x128x64xf32, #tpu.memory_space<vmem>> -> memref<128x64xf32, #tpu.memory_space<vmem>>
        %dma_start3A_140 = arith.constant 0 : i32
        %dma_start3A_141 = tpu.memref_slice %arg6[%add3A_126, %dma_start3A_140] : memref<819200x64xf32, #tpu.memory_space<hbm>> -> memref<128x64xf32, #tpu.memory_space<hbm>>
        %dma_start3A_142 = arith.constant 0 : i32
        %dma_start3A_143 = tpu.memref_slice %arg6[%add3A_126, %dma_start3A_142] : memref<819200x64xf32, #tpu.memory_space<hbm>> -> memref<128x64xf32, #tpu.memory_space<hbm>>
        %dma_start3A_144 = arith.constant 0 : i32
        %dma_start3A_145 = arith.constant 0 : i32
        %dma_start3A_146 = tpu.memref_slice %arg9[%run_scoped3A_127, %dma_start3A_144, %dma_start3A_145] : memref<2x128x64xf32, #tpu.memory_space<vmem>> -> memref<1x128x64xf32, #tpu.memory_space<vmem>>
        %dma_start3A_147 = tpu.memref_squeeze %dma_start3A_146 : memref<1x128x64xf32, #tpu.memory_space<vmem>> -> memref<128x64xf32, #tpu.memory_space<vmem>>
        tpu.enqueue_dma source(%dma_start3A_147 : memref<128x64xf32, #tpu.memory_space<vmem>>) target(%dma_start3A_143 : memref<128x64xf32, #tpu.memory_space<hbm>>) target_semaphore(%run_scoped3A_135 : memref<!tpu.dma_semaphore, #tpu.memory_space<semaphore_mem>>)
        %dma_wait3A_148 = arith.constant 0 : i32
        %dma_wait3A_149 = arith.constant 0 : i32
        %dma_wait3A_150 = tpu.memref_slice %arg9[%run_scoped3A_127, %dma_wait3A_148, %dma_wait3A_149] : memref<2x128x64xf32, #tpu.memory_space<vmem>> -> memref<1x128x64xf32, #tpu.memory_space<vmem>>
        %dma_wait3A_151 = tpu.memref_squeeze %dma_wait3A_150 : memref<1x128x64xf32, #tpu.memory_space<vmem>> -> memref<128x64xf32, #tpu.memory_space<vmem>>
        %dma_wait3A_152 = arith.constant 0 : i32
        %dma_wait3A_153 = tpu.memref_slice %arg6[%add3A_126, %dma_wait3A_152] : memref<819200x64xf32, #tpu.memory_space<hbm>> -> memref<128x64xf32, #tpu.memory_space<hbm>>
        %dma_wait3A_154 = arith.constant 0 : i32
        %dma_wait3A_155 = tpu.memref_slice %arg6[%add3A_126, %dma_wait3A_154] : memref<819200x64xf32, #tpu.memory_space<hbm>> -> memref<128x64xf32, #tpu.memory_space<hbm>>
        %dma_wait3A_156 = arith.constant 0 : i32
        %dma_wait3A_157 = arith.constant 0 : i32
        %dma_wait3A_158 = tpu.memref_slice %arg9[%run_scoped3A_127, %dma_wait3A_156, %dma_wait3A_157] : memref<2x128x64xf32, #tpu.memory_space<vmem>> -> memref<1x128x64xf32, #tpu.memory_space<vmem>>
        %dma_wait3A_159 = tpu.memref_squeeze %dma_wait3A_158 : memref<1x128x64xf32, #tpu.memory_space<vmem>> -> memref<128x64xf32, #tpu.memory_space<vmem>>
        tpu.wait_dma2 semaphore(%run_scoped3A_135 : memref<!tpu.dma_semaphore, #tpu.memory_space<semaphore_mem>>) src(%dma_wait3A_159 : memref<128x64xf32, #tpu.memory_space<vmem>>) dst(%dma_wait3A_155 : memref<128x64xf32, #tpu.memory_space<hbm>>)
        tpu.yield
      }) : () -> ()
      %add3A_128 = arith.constant 2 : i32
      %add3A_129 = arith.addi %add3A_96, %add3A_128 : i32
      %lt3A_130 = arith.constant 200 : i32
      %lt3A_131 = arith.cmpi slt, %add3A_129, %lt3A_130 : i32
      %convert_element_type3A_132 = arith.extui %lt3A_131 : i1 to i32
      %cond3A_133 = arith.constant 0 : i32
      %cond3A_134 = arith.cmpi ne, %convert_element_type3A_132, %cond3A_133 : i32
      scf.if %cond3A_134 {
        %add3A_135 = arith.constant 2 : i32
        %add3A_136 = arith.addi %add3A_96, %add3A_135 : i32
        %dma_start3A_137 = arith.constant 1 : i32
        %dma_start3A_138 = arith.constant 0 : i32
        %dma_start3A_139 = arith.constant 0 : i32
        %dma_start3A_140 = tpu.memref_slice %arg9[%dma_start3A_137, %dma_start3A_138, %dma_start3A_139] : memref<2x128x64xf32, #tpu.memory_space<vmem>> -> memref<1x128x64xf32, #tpu.memory_space<vmem>>
        %dma_start3A_141 = tpu.memref_squeeze %dma_start3A_140 : memref<1x128x64xf32, #tpu.memory_space<vmem>> -> memref<128x64xf32, #tpu.memory_space<vmem>>
        %dma_start3A_142 = arith.constant 0 : i32
        %dma_start3A_143 = tpu.memref_slice %arg7[%add3A_136, %dma_start3A_142] : memref<200x128xi32, #tpu.memory_space<vmem>> -> memref<1x128xi32, #tpu.memory_space<vmem>>
        %dma_start3A_144 = tpu.memref_squeeze %dma_start3A_143 : memref<1x128xi32, #tpu.memory_space<vmem>> -> memref<128xi32, #tpu.memory_space<vmem>>
        %dma_start3A_145 = arith.constant 0 : i32
        %dma_start3A_146 = arith.constant 0 : i32
        %dma_start3A_147 = tpu.memref_slice %arg2[%dma_start3A_145, %dma_start3A_146] : memref<1015808x64xf32, #tpu.memory_space<hbm>> -> memref<1015808x64xf32, #tpu.memory_space<hbm>>
        tpu.enqueue_indirect_dma source(%dma_start3A_147 : memref<1015808x64xf32, #tpu.memory_space<hbm>>) target(%dma_start3A_141 : memref<128x64xf32, #tpu.memory_space<vmem>>) offsets(%dma_start3A_144 : memref<128xi32, #tpu.memory_space<vmem>>) semaphore(%arg12 : memref<!tpu.dma_semaphore, #tpu.memory_space<semaphore_mem>>)
        %dma_start3A_148 = arith.constant 1 : i32
        %dma_start3A_149 = arith.constant 0 : i32
        %dma_start3A_150 = arith.constant 0 : i32
        %dma_start3A_151 = tpu.memref_slice %arg10[%dma_start3A_148, %dma_start3A_149, %dma_start3A_150] : memref<2x128x64xf32, #tpu.memory_space<vmem>> -> memref<1x128x64xf32, #tpu.memory_space<vmem>>
        %dma_start3A_152 = tpu.memref_squeeze %dma_start3A_151 : memref<1x128x64xf32, #tpu.memory_space<vmem>> -> memref<128x64xf32, #tpu.memory_space<vmem>>
        %dma_start3A_153 = arith.constant 0 : i32
        %dma_start3A_154 = tpu.memref_slice %arg8[%add3A_136, %dma_start3A_153] : memref<200x128xi32, #tpu.memory_space<vmem>> -> memref<1x128xi32, #tpu.memory_space<vmem>>
        %dma_start3A_155 = tpu.memref_squeeze %dma_start3A_154 : memref<1x128xi32, #tpu.memory_space<vmem>> -> memref<128xi32, #tpu.memory_space<vmem>>
        %dma_start3A_156 = arith.constant 0 : i32
        %dma_start3A_157 = arith.constant 0 : i32
        %dma_start3A_158 = tpu.memref_slice %arg3[%dma_start3A_156, %dma_start3A_157] : memref<16384x64xf32, #tpu.memory_space<hbm>> -> memref<16384x64xf32, #tpu.memory_space<hbm>>
        tpu.enqueue_indirect_dma source(%dma_start3A_158 : memref<16384x64xf32, #tpu.memory_space<hbm>>) target(%dma_start3A_152 : memref<128x64xf32, #tpu.memory_space<vmem>>) offsets(%dma_start3A_155 : memref<128xi32, #tpu.memory_space<vmem>>) semaphore(%arg12 : memref<!tpu.dma_semaphore, #tpu.memory_space<semaphore_mem>>)
      } else {
      }
    }
    %scan3A_54 = arith.constant 100 : i32
    return
  }
}

module attributes {stable_mosaic.version = 14 : i64} {
  func.func @body(%arg0: i32, %arg1: memref<64x16384xf32, #tpu.memory_space<vmem>>, %arg2: memref<8192x128xf32, #tpu.memory_space<vmem>>) attributes {dimension_semantics = [#tpu.dimension_semantics<arbitrary>], iteration_bounds = array<i64: 62>, scalar_prefetch = 0 : i64, scratch_operands = 0 : i64, tpu.core_type = #tpu.core_type<tc>, window_params = [{transform_indices = @transform_0, window_bounds = array<i64: 64, 16384>}, {transform_indices = @transform_1, window_bounds = array<i64: 8192, 128>}]} {
    %get3A = arith.constant 0 : index
    %get3A_0 = arith.constant 0 : index
    %get3A_1 = vector.load %arg1[%get3A, %get3A_0] : memref<64x16384xf32, #tpu.memory_space<vmem>>, vector<64x16384xf32>
    %transpose3A = tpu.transpose %get3A_1, [1, 0] : vector<64x16384xf32> -> vector<16384x64xf32>
    %slice3A = vector.extract_strided_slice %transpose3A {offsets = [0, 0], sizes = [8192, 64], strides = [1, 1]} : vector<16384x64xf32> to vector<8192x64xf32>
    %slice3A_2 = vector.extract_strided_slice %transpose3A {offsets = [8192, 0], sizes = [8192, 64], strides = [1, 1]} : vector<16384x64xf32> to vector<8192x64xf32>
    %concatenate3A = tpu.concatenate %slice3A, %slice3A_2 in 1 : vector<8192x64xf32>, vector<8192x64xf32> -> vector<8192x128xf32>
    %swap3A = arith.constant 0 : index
    %swap3A_3 = arith.constant 0 : index
    %swap3A_4 = vector.load %arg2[%swap3A, %swap3A_3] : memref<8192x128xf32, #tpu.memory_space<vmem>>, vector<8192x128xf32>
    tpu.vector_store %arg2[%swap3A, %swap3A_3], %concatenate3A {strides = array<i32>} : memref<8192x128xf32, #tpu.memory_space<vmem>>, vector<8192x128xf32>,
    return
  }
  func.func @transform_0(%arg0: i32) -> (i32, i32) {
    %c0_i32 = arith.constant 0 : i32
    %c0_i32_0 = arith.constant 0 : i32
    return %c0_i32, %arg0 : i32, i32
  }
  func.func @transform_1(%arg0: i32) -> (i32, i32) {
    %c0_i32 = arith.constant 0 : i32
    %c0_i32_0 = arith.constant 0 : i32
    return %arg0, %c0_i32 : i32, i32
  }
}

module attributes {stable_mosaic.version = 14 : i64} {
  func.func @body(%arg0: memref<200x4096xi32, #tpu.memory_space<vmem>>, %arg1: memref<200x4096xi32, #tpu.memory_space<vmem>>, %arg2: memref<200x4096xi32, #tpu.memory_space<vmem>>, %arg3: memref<200x4096xi32, #tpu.memory_space<vmem>>, %arg4: memref<64x512xf32, #tpu.memory_space<vmem>>, %arg5: memref<2x64xf32, #tpu.memory_space<vmem>>, %arg6: memref<16x64xf32, #tpu.memory_space<vmem>>, %arg7: memref<200x4096xi32, #tpu.memory_space<vmem>>, %arg8: memref<200x4096xi32, #tpu.memory_space<vmem>>, %arg9: memref<512x2x8x128xf32, #tpu.memory_space<vmem>>) attributes {dimension_semantics = [], scalar_prefetch = 0 : i64, scratch_operands = 0 : i64, tpu.core_type = #tpu.core_type<tc>} {
    %get3A = arith.constant 0 : index
    %get3A_0 = arith.constant 0 : index
    %get3A_1 = vector.load %arg0[%get3A, %get3A_0] : memref<200x4096xi32, #tpu.memory_space<vmem>>, vector<200x4096xi32>
    %and3A = arith.constant 8191 : i32
    %and3A_2 = vector.broadcast %and3A : i32 to vector<200x4096xi32>
    %and3A_3 = arith.andi %get3A_1, %and3A_2 : vector<200x4096xi32>
    %shift_left3A = arith.constant 1 : i32
    %shift_left3A_4 = vector.broadcast %shift_left3A : i32 to vector<200x4096xi32>
    %shift_left3A_5 = arith.shli %and3A_3, %shift_left3A_4 : vector<200x4096xi32>
    %shift_right_arithmetic3A = arith.constant 13 : i32
    %shift_right_arithmetic3A_6 = vector.broadcast %shift_right_arithmetic3A : i32 to vector<200x4096xi32>
    %shift_right_arithmetic3A_7 = arith.shrsi %get3A_1, %shift_right_arithmetic3A_6 : vector<200x4096xi32>
    %and3A_8 = arith.constant 1 : i32
    %and3A_9 = vector.broadcast %and3A_8 : i32 to vector<200x4096xi32>
    %and3A_10 = arith.andi %shift_right_arithmetic3A_7, %and3A_9 : vector<200x4096xi32>
    %or3A = arith.ori %shift_left3A_5, %and3A_10 : vector<200x4096xi32>
    %and3A_11 = arith.constant -16384 : i32
    %and3A_12 = vector.broadcast %and3A_11 : i32 to vector<200x4096xi32>
    %and3A_13 = arith.andi %get3A_1, %and3A_12 : vector<200x4096xi32>
    %or3A_14 = arith.ori %and3A_13, %or3A : vector<200x4096xi32>
    %swap3A = arith.constant 0 : index
    %swap3A_15 = arith.constant 0 : index
    %swap3A_16 = vector.load %arg7[%swap3A, %swap3A_15] : memref<200x4096xi32, #tpu.memory_space<vmem>>, vector<200x4096xi32>
    tpu.vector_store %arg7[%swap3A, %swap3A_15], %or3A_14 {strides = array<i32>} : memref<200x4096xi32, #tpu.memory_space<vmem>>, vector<200x4096xi32>,
    %get3A_17 = arith.constant 0 : index
    %get3A_18 = arith.constant 0 : index
    %get3A_19 = vector.load %arg1[%get3A_17, %get3A_18] : memref<200x4096xi32, #tpu.memory_space<vmem>>, vector<200x4096xi32>
    %mul3A = arith.constant 32 : i32
    %mul3A_20 = vector.broadcast %mul3A : i32 to vector<200x4096xi32>
    %mul3A_21 = arith.muli %get3A_19, %mul3A_20 : vector<200x4096xi32>
    %get3A_22 = arith.constant 0 : index
    %get3A_23 = arith.constant 0 : index
    %get3A_24 = vector.load %arg2[%get3A_22, %get3A_23] : memref<200x4096xi32, #tpu.memory_space<vmem>>, vector<200x4096xi32>
    %mul3A_25 = arith.constant 16 : i32
    %mul3A_26 = vector.broadcast %mul3A_25 : i32 to vector<200x4096xi32>
    %mul3A_27 = arith.muli %get3A_24, %mul3A_26 : vector<200x4096xi32>
    %add3A = arith.addi %mul3A_21, %mul3A_27 : vector<200x4096xi32>
    %get3A_28 = arith.constant 0 : index
    %get3A_29 = arith.constant 0 : index
    %get3A_30 = vector.load %arg3[%get3A_28, %get3A_29] : memref<200x4096xi32, #tpu.memory_space<vmem>>, vector<200x4096xi32>
    %add3A_31 = arith.addi %add3A, %get3A_30 : vector<200x4096xi32>
    %swap3A_32 = arith.constant 0 : index
    %swap3A_33 = arith.constant 0 : index
    %swap3A_34 = vector.load %arg8[%swap3A_32, %swap3A_33] : memref<200x4096xi32, #tpu.memory_space<vmem>>, vector<200x4096xi32>
    tpu.vector_store %arg8[%swap3A_32, %swap3A_33], %add3A_31 {strides = array<i32>} : memref<200x4096xi32, #tpu.memory_space<vmem>>, vector<200x4096xi32>,
    %get3A_35 = arith.constant 0 : index
    %get3A_36 = arith.constant 0 : index
    %get3A_37 = vector.load %arg4[%get3A_35, %get3A_36] : memref<64x512xf32, #tpu.memory_space<vmem>>, vector<64x512xf32>
    %transpose3A = tpu.transpose %get3A_37, [1, 0] : vector<64x512xf32> -> vector<512x64xf32>
    %concatenate3A = tpu.concatenate %transpose3A, %transpose3A in 1 : vector<512x64xf32>, vector<512x64xf32> -> vector<512x128xf32>
    %get3A_38 = arith.constant 0 : index
    %get3A_39 = arith.constant 0 : index
    %get3A_40 = vector.load %arg5[%get3A_38, %get3A_39] : memref<2x64xf32, #tpu.memory_space<vmem>>, vector<2x64xf32>
    %concatenate3A_41 = tpu.concatenate %get3A_40, %get3A_40 in 1 : vector<2x64xf32>, vector<2x64xf32> -> vector<2x128xf32>
    %get3A_42 = arith.constant 0 : index
    %get3A_43 = arith.constant 0 : index
    %get3A_44 = vector.load %arg6[%get3A_42, %get3A_43] : memref<16x64xf32, #tpu.memory_space<vmem>>, vector<16x64xf32>
    %reshape3A = vector.shape_cast %get3A_44 : vector<16x64xf32> to vector<8x2x64xf32>
    %slice3A = vector.extract_strided_slice %reshape3A {offsets = [0, 0, 0], sizes = [8, 1, 64], strides = [1, 1, 1]} : vector<8x2x64xf32> to vector<8x1x64xf32>
    %squeeze3A = vector.shape_cast %slice3A : vector<8x1x64xf32> to vector<8x64xf32>
    %slice3A_45 = vector.extract_strided_slice %reshape3A {offsets = [0, 1, 0], sizes = [8, 1, 64], strides = [1, 1, 1]} : vector<8x2x64xf32> to vector<8x1x64xf32>
    %squeeze3A_46 = vector.shape_cast %slice3A_45 : vector<8x1x64xf32> to vector<8x64xf32>
    %concatenate3A_47 = tpu.concatenate %squeeze3A, %squeeze3A_46 in 1 : vector<8x64xf32>, vector<8x64xf32> -> vector<8x128xf32>
    %broadcast_in_dim3A = vector.shape_cast %concatenate3A : vector<512x128xf32> to vector<512x1x1x128xf32>
    %broadcast_in_dim3A_48 = vector.shape_cast %concatenate3A_41 : vector<2x128xf32> to vector<1x2x1x128xf32>
    %add3A_49 = vector.broadcast %broadcast_in_dim3A : vector<512x1x1x128xf32> to vector<512x2x1x128xf32>
    %add3A_50 = vector.broadcast %broadcast_in_dim3A_48 : vector<1x2x1x128xf32> to vector<512x2x1x128xf32>
    %add3A_51 = arith.addf %add3A_49, %add3A_50 : vector<512x2x1x128xf32>
    %broadcast_in_dim3A_52 = vector.shape_cast %concatenate3A_47 : vector<8x128xf32> to vector<1x1x8x128xf32>
    %add3A_53 = vector.broadcast %add3A_51 : vector<512x2x1x128xf32> to vector<512x2x8x128xf32>
    %add3A_54 = vector.broadcast %broadcast_in_dim3A_52 : vector<1x1x8x128xf32> to vector<512x2x8x128xf32>
    %add3A_55 = arith.addf %add3A_53, %add3A_54 : vector<512x2x8x128xf32>
    %swap3A_56 = arith.constant 0 : index
    %swap3A_57 = arith.constant 0 : index
    %swap3A_58 = arith.constant 0 : index
    %swap3A_59 = arith.constant 0 : index
    %swap3A_60 = vector.load %arg9[%swap3A_56, %swap3A_57, %swap3A_58, %swap3A_59] : memref<512x2x8x128xf32, #tpu.memory_space<vmem>>, vector<512x2x8x128xf32>
    tpu.vector_store %arg9[%swap3A_56, %swap3A_57, %swap3A_58, %swap3A_59], %add3A_55 {strides = array<i32>} : memref<512x2x8x128xf32, #tpu.memory_space<vmem>>, vector<512x2x8x128xf32>,
    return
  }
}

</mosaic_0001>

<sc_bundles>
// kernel: kernel.5.cloned.1.call-start
scs
__scs_entry_jumppad:
0x0: {  	(pc) =	sbr.rel $0x88, $3  }
0x1: {  	(tag) =	ssettag $0x0;
	lr =	simm.s32 $0x1  }
0x2: {  	[smem:$0x3F99] =	sst lr;
	_ =	strace $0xD0000000  }
0x3: {  	_ = 	snop  }
0x4: {  	_ = 	snop  }
0x5: {  	_ = 	snop  }
0x6: {  	_ = 	snop  }
0x7: {  	_ = 	snop  }
__scs_overlays_trampoline_lowered:
0x8: {  	[smem:$0x3FA8] =	sst s0  }
0x9: {  	[smem:$0x3FA9] =	sst s1  }
0xa: {  	[smem:$0x3FAA] =	sst s2  }
0xb: {  	[smem:$0x3FAB] =	sst s3  }
0xc: {  	[smem:$0x3FAC] =	sst s4  }
0xd: {  	[smem:$0x3FAD] =	sst s5  }
0xe: {  	[smem:$0x3FAE] =	sst s6  }
0xf: {  	[smem:$0x3FAF] =	sst s7  }
0x10: {  	[smem:$0x3FB0] =	sst s8  }
0x11: {  	[smem:$0x3FB1] =	sst s9;
	s0 =	simm.s32 @!p0 $0x0  }
0x12: {  	s1 =	sld [smem:$0x3F97];
	s0 =	simm.s32 @p0 $0x1  }
0x13: {  	[smem:$0x3FB2] =	sst s0;
	s0 =	simm.s32 @!p1 $0x0  }
0x14: {  	s2 =	sld [smem:$0x3F96];
	s0 =	simm.s32 @p1 $0x1  }
0x15: {  	[smem:$0x3FB3] =	sst s0;
	s0 =	simm.s32 @!p2 $0x0  }
0x16: {  	s3 =	sld [smem:$0x3FDB];
	s0 =	simm.s32 @p2 $0x1  }
0x17: {  	s4 =	simm.s32 $0x1BF5;
	[smem:$0x3FB5] =	sst s0  }
0x18: {  	s0 =	sld [smem:$0x3F98];
	_ =	swait.ge [sflag:s4], $0x0  }
0x19: {  	s7 =	sld [smem:$0x3F99]  }
0x1a: {  	s8 =	sadd.s32 $0xFFFFE003, lr  }
0x1b: {  	s9 =	sadd.s32 $0xFFFFFEF7, lr;
	s5 =	simm.s32 $0xFFFFFFFF;
	p2 =	slt.u32 s8, $0xFFFFF086  }
0x1c: {  	p1 =	slt.u32 s9, $0xF7A;
	s5 =	simm.s32 @!p2 $0x0  }
0x1d: {  	s5 =	simm.s32 @p1 $0x1;
	p0 =	seq.s32 s7, s2  }
0x1e: {  	s7 =	smul.u32 @!p0 $0xF7A, s2;
	p2 =	seq.s32 @!p0 s5, $0x0  }
0x1f: {  	s9 =	smul.u32 $0xF7A, s1;
	s8 =	simm.s32 @!p0 $0x1BF5;
	p2 =	por !p2, p0  }
0x20: {  	[sflag:s8] =	ssyncset.s32 @!p0 $0xFFFFF086;
	s6 =	sadd.s32 @!p0 s3, s7;
	s7 =	simm.s32 @!p0 $0x108  }
0x21: {  	s3 =	sadd.s32 s3, s9;
	s6 =	sadd.s32 @!p0 $0x88, s6;
	s7 =	simm.s32 @p2 $0x1082  }
0x22: {  	[simem:s7], [sflag:s8] =	dma.local @!p0 [hbm:s6], $0xF7A  }
0x23: {  	s9 =	sor.u32 $0xD0000000, s2;
	s6 =	simm.s32 $0x108;
	_ =	swait.ge @!p0 [sflag:s8], $0x0  }
0x24: {  	s3 =	sadd.s32 $0x88, s3;
	s6 =	simm.s32 @!p1 $0x1082;
	[sflag:s4] =	ssyncset.s32 $0xFFFFF086  }
0x25: {  	[simem:s6], [sflag:s4] =	dma.local [hbm:s3], $0xF7A  }
0x26: {  	[smem:$0x3F99] =	sst s1;
	(tag) =	ssettag s2;
	_ =	strace s9  }
0x27: {  	s1 =	sld [smem:$0x3FA9]  }
0x28: {  	s2 =	sld [smem:$0x3FAA]  }
0x29: {  	s4 =	sld [smem:$0x3FAC]  }
0x2a: {  	p0 =	seq.s32 s5, $0x0;
	s5 =	sld [smem:$0x3FAD]  }
0x2b: {  	s6 =	sld [smem:$0x3FAE]  }
0x2c: {  	s7 =	sld [smem:$0x3FAF]  }
0x2d: {  	s3 =	simm.s32 $0x108;
	s8 =	sld [smem:$0x3FB0]  }
0x2e: {  	s3 =	simm.s32 @!p0 $0x1082;
	s9 =	sld [smem:$0x3FB1]  }
0x2f: {  	lr =	sadd.s32 s0, s3;
	s0 =	sld [smem:$0x3FA8]  }
0x30: {  	s3 =	sld [smem:$0x3FAB]  }
0x31: {  	[smem:$0x3FB4] =	sst s10  }
0x32: {  	s10 =	sld [smem:$0x3FB2];
	_ =	sdelay $0x3  }
0x33: {  	p0 =	seq.s32 s10, $0x1;
	s10 =	sld [smem:$0x3FB4];
	_ =	sdelay $0x3  }
0x34: {  	[smem:$0x3FB4] =	sst s10  }
0x35: {  	s10 =	sld [smem:$0x3FB3];
	_ =	sdelay $0x3  }
0x36: {  	p1 =	seq.s32 s10, $0x1;
	s10 =	sld [smem:$0x3FB4];
	_ =	sdelay $0x3  }
0x37: {  	[smem:$0x3FB4] =	sst s10  }
0x38: {  	s10 =	sld [smem:$0x3FB5]  }
0x39: {  	_ = 	snop;
	(pc) =	sbr.ind lr, $3  }
0x3a: {  	_ = 	snop  }
0x3b: {  	_ = 	snop  }
0x3c: {  	p2 =	seq.s32 s10, $0x1;
	s10 =	sld [smem:$0x3FB4]  }
0x3d: {  	_ =	shalt  }
0x3e: {  	_ =	shalt  }
0x3f: {  	_ =	shalt  }
0x40: {  	_ =	shalt  }
0x41: {  	_ =	shalt  }
0x42: {  	_ =	shalt  }
0x43: {  	_ =	shalt  }
0x44: {  	_ =	shalt  }
0x45: {  	_ =	shalt  }
0x46: {  	_ =	shalt  }
0x47: {  	_ =	shalt  }
0x48: {  	_ =	shalt  }
0x49: {  	_ =	shalt  }
0x4a: {  	_ =	shalt  }
0x4b: {  	_ =	shalt  }
0x4c: {  	_ =	shalt  }
0x4d: {  	_ =	shalt  }
0x4e: {  	_ =	shalt  }
0x4f: {  	_ =	shalt  }
0x50: {  	_ =	shalt  }
0x51: {  	_ =	shalt  }
0x52: {  	_ =	shalt  }
0x53: {  	_ =	shalt  }
0x54: {  	_ =	shalt  }
0x55: {  	_ =	shalt  }
0x56: {  	_ =	shalt  }
0x57: {  	_ =	shalt  }
0x58: {  	_ =	shalt  }
0x59: {  	_ =	shalt  }
0x5a: {  	_ =	shalt  }
0x5b: {  	_ =	shalt  }
0x5c: {  	_ =	shalt  }
0x5d: {  	_ =	shalt  }
0x5e: {  	_ =	shalt  }
0x5f: {  	_ =	shalt  }
0x60: {  	_ =	shalt  }
0x61: {  	_ =	shalt  }
0x62: {  	_ =	shalt  }
0x63: {  	_ =	shalt  }
0x64: {  	_ =	shalt  }
0x65: {  	_ =	shalt  }
0x66: {  	_ =	shalt  }
0x67: {  	_ =	shalt  }
0x68: {  	_ =	shalt  }
0x69: {  	_ =	shalt  }
0x6a: {  	_ =	shalt  }
0x6b: {  	_ =	shalt  }
0x6c: {  	_ =	shalt  }
0x6d: {  	_ =	shalt  }
0x6e: {  	_ =	shalt  }
0x6f: {  	_ =	shalt  }
0x70: {  	_ =	shalt  }
0x71: {  	_ =	shalt  }
0x72: {  	_ =	shalt  }
0x73: {  	_ =	shalt  }
0x74: {  	_ =	shalt  }
0x75: {  	_ =	shalt  }
0x76: {  	_ =	shalt  }
0x77: {  	_ =	shalt  }
0x78: {  	_ =	shalt  }
0x79: {  	_ =	shalt  }
0x7a: {  	_ =	shalt  }
0x7b: {  	_ =	shalt  }
0x7c: {  	_ =	shalt  }
0x7d: {  	_ =	shalt  }
0x7e: {  	_ =	shalt  }
0x7f: {  	_ =	shalt  }
0x80: {  	_ =	shalt  }
0x81: {  	_ =	shalt  }
0x82: {  	_ =	shalt  }
0x83: {  	_ =	shalt  }
0x84: {  	_ =	shalt  }
0x85: {  	_ =	shalt  }
0x86: {  	_ =	shalt  }
0x87: {  	_ =	shalt  }
.Lfunc_end0:
.L_simem_size_0:
called_computation.1_lowered:
.L_overlay_start_0:
0x88: {  	s2 =	sld [smem:$0x3FD9]  }
0x89: {  	s3 =	sld [smem:$0x3FFE];
	_ =	sdelay $0x1  }
0x8a: {  	s1 =	srdreg.scid  }
0x8b: {  	s0 =	sand.u32 $0x1, s1  }
0x8c: {  	s17 =	sshll.u32 s0, $0xA;
	s2 =	sadd.s32 s3, s2  }
0x8d: {  	s2 =	sadd.s32 s2, s17  }
0x8e: {  	[smem:$0x3FC0] =	sst s2  }
0x8f: {  	_ = 	snop  }
0x90: {  	s2 =	sld [smem:$0x3FD0];
	(tm) =	ssettm $0x1  }
0x91: {  	s18 =	sld [smem:$0x3FFB];
	_ =	sdelay $0x3  }
0x92: {  	_ =	strace s18  }
0x93: {  	s3 =	sld [smem:$0x3FFC];
	_ =	sdelay $0x3  }
0x94: {  	_ =	strace s3  }
0x95: {  	s3 =	sld [smem:$0x3FFD];
	_ =	sdelay $0x3  }
0x96: {  	_ =	strace s3  }
0x97: {  	_ =	strace $0x8FFFFFFF  }
0x98: {  	s19 =	sld [smem:$0x3FDB];
	_ =	sdelay $0x1  }
0x99: {  	s4 =	simm.s32 $_scs_section_size  }
0x9a: {  	s5 =	simm.s32 $_size__tile_overlayer_lowered;
	s6 =	simm.s32 $_tile_overlayer_lowered  }
0x9b: {  	s22 =	simm.s32 $0x1BFF;
	s21 =	sshll.u32 s6, $0x1;
	s3 =	sadd.s32 s4, s19  }
0x9c: {  	s7 =	simm.s32 $0x0;
	s20 =	sshll.u32 s5, $0x1;
	s5 =	sadd.s32 s21, s3  }
0x9d: {  	[timem:s7], [sflag:s22] =	dma.local [hbm:s5], s20  }
0x9e: {  	_ =	swait.ge [sflag:s22], s20  }
0x9f: {  	s4 =	ssub.s32 $0x0, s20;
	[sflag:s22] =	ssyncset.done $0x0  }
0xa0: {  	[sflag:s22] =	ssyncadd.s32 s4;
	_ =	sdelay $0x1  }
0xa1: {  	s23 =	simm.s32 $0x1B8B  }
0xa2: {  	_ =	swait.ge [sflag:s23], $0x1  }
0xa3: {  	[sflag:s23] =	ssyncset.done $0x0  }
0xa4: {  	s25 =	simm.s32 $0x1B8E;
	s24 =	sld [smem:$0x3FFE];
	[sflag:s23] =	ssyncadd.s32 $0xFFFFFFFF  }
0xa5: {  	s26 =	simm.s32 $execute0_lowered;
	[smem:$0x3FD2] =	sst s25  }
0xa6: {  	s5 =	sshll.u32 s26, $0x1;
	_ =	strace $0x80000046;
	[dreg:$0x1] =	wrdreg $0xFFFFFFFF  }
0xa7: {  	s28 =	simm.s32 $_size_execute0_lowered;
	s3 =	sadd.s32 s3, s5;
	[dreg:$0x0] =	wrdreg $0x0  }
0xa8: {  	s5 =	sshll.u32 s28, $0x1;
	[dreg:$0x2] =	wrdreg s3  }
0xa9: {  	[dreg:$0x3] =	wrdreg s5  }
0xaa: {  	[dreg:$0x4] =	wrdreg $0xC0  }
0xab: {  	_ =	task [dreg:s7], $0x5FFFF  }
0xac: {  	[dreg:$0x1] =	wrdreg $0xFFFFFFFF  }
0xad: {  	[dreg:$0x0] =	wrdreg $0x60  }
0xae: {  	[dreg:$0x2] =	wrdreg s24  }
0xaf: {  	[dreg:$0x3] =	wrdreg s2  }
0xb0: {  	[dreg:$0x4] =	wrdreg $0x9  }
0xb1: {  	_ =	task.clear_ibuf [dreg:s7], $0x5FFFF;
	_ =	strace $0x90000046  }
0xb2: {  	s29 =	simm.s32 $0x9;
	_ =	strace $0x80000048  }
0xb3: {  	_ =	swait.ge [sflag:s29], $0x1  }
0xb4: {  	[sflag:s29] =	ssyncadd.s32 $0xFFFFFFFF  }
0xb5: {  	_ =	strace $0x90000048  }
0xb6: {  	_ =	sfence  }
0xb7: {  	s30 =	sld [smem:$0x0];
	_ =	sdelay $0x2  }
0xb8: {  	s31 =	sshll.u32 s1, $0xD;
	s1 =	sshrl.u32 s1, $0x2  }
0xb9: {  	s3 =	sand.u32 $0x4000, s31;
	s1 =	sadd.s32 s1, s30  }
0xba: {  	s0 =	sor.u32 s3, s0;
	s1 =	sshll.u32 s1, $0x11  }
0xbb: {  	s0 =	sor.u32 s1, s0  }
0xbc: {  	s0 =	sadd.s32 $0x8F2B, s0  }
0xbd: {  	[sflag:s0] =	ssyncadd.remote.s32 $0x1  }
0xbe: {  	_ =	sfence.sel $0xFFFF  }
0xbf: {  	[dreg:$0x0] =	wrdreg $0xFFFFFFFF;
	(pc) =	sbr.abs _section_cstart, $3  }
0xc0: {  	[dreg:$0x1] =	wrdreg $0xFFFFFFFF  }
0xc1: {  	_ =	task.clear_ibuf [dreg:s7], $0x2FFFF;
	_ =	strace $0x9FFFFFFF  }
0xc2: {  	(tm) =	ssettm $0x7FFFFFFF  }
0xc3: {  	_ =	shalt  }
tec
execute0_lowered:
.L_overlay_start_1:
0x0: {  	(tag) =	ssettag $0x1  }
0x1: {  	s1 =	srdreg.scid  }
0x2: {  	s0 =	stileid.u32;
	s5 =	rddreg [dreg:$0x0]  }
0x3: {  	s2 =	rddreg [dreg:$0x1];
	s3 =	simm.s32 $0x0;
	s12 =	simm.s32 $0x6400  }
0x4: {  	s13 =	simm.s32 $0x80;
	s14 =	simm.s32 $0xC800;
	s15 =	simm.s32 $0x10800  }
0x5: {  	s16 =	simm.s32 $0xE800;
	s17 =	simm.s32 $0x6480;
	s18 =	simm.s32 $0x12800  }
0x6: {  	s19 =	simm.s32 $0x1;
	s4 =	sand.u32 $0x1, s1;
	s30 =	sshll.u32 s0, $0x1  }
0x7: {  	s20 =	simm.s32 $0x2;
	s1 =	rddreg [dreg:$0x2];
	s8 =	sor.u32 s4, s30  }
0x8: {  	s21 =	simm.s32 $0x0;
	[smem:$0x7FF] =	sst s3;
	s9 =	smul.u32 $0x6400, s8  }
.Ltmp0:
0x9: {  	_ =	strace $0x80000047;
	s7 =	ssub.s32 $0x2, s4;
	(pc) =	sbr.rel .LBB2_1-.Ltmp0, $4  }
0xa: {  	s4 =	sadd.s32 $0x53800, s5;
	s31 =	sshrl.u32 s7, $0x1;
	s6 =	sshrl.u32 s9, $0x3  }
0xb: {  	s8 =	smul.u32 $0x190000, s8;
	s11 =	ssub.s32 s7, s31;
	s10 =	sadd.s32 s6, s5  }
0xc: {  	s9 =	sor.u32 $0x80, s9;
	s5 =	sadd.s32 $0x1800, s5;
	s6 =	sadd.s32 $0x21800, s10  }
0xd: {  	s7 =	sadd.s32 $0x3A800, s10;
	s10 =	smax.u32 s11, $0x1;
	s11 =	simm.s32 $0x3  }
.LBB2_8:
0xe: {  	s21 =	sadd.s32 $0x1, s21  }
0xf: {  	p0 =	sne.s32 s21, s10  }
.Ltmp1:
0x10: {  	_ = 	snop;
	(pc) =	sbr.rel @!p0 .LBB2_9-.Ltmp1, $1  }
0x11: {  	_ =	sdelay $0x3  }
.LBB2_1:
0x12: {  	[tilespmem:s3], [sflag:$0x3] =	stream.linear.gather [hbm4b:s6+s3], $0x6400, $0x38;
	[tilespmem:$0x14800] =	vst v63  }
0x13: {  	_ =	swait.ge [sflag:s11], $0x6400  }
0x14: {  	[sflag:s11] =	ssyncset.done $0x0  }
0x15: {  	[sflag:s11] =	ssyncadd.s32 $0xFFFF9C00  }
0x16: {  	[tilespmem:s12], [sflag:$0x3] =	stream.linear.gather [hbm4b:s7+s3], $0x6400, $0x38;
	[tilespmem:$0x14800] =	vst v63  }
0x17: {  	_ =	swait.ge [sflag:s11], $0x6400  }
0x18: {  	[sflag:s11] =	ssyncset.done $0x0  }
0x19: {  	[sflag:s11] =	ssyncadd.s32 $0xFFFF9C00  }
0x1a: {  	[tilespmem:s14], [sflag:$0x1] =	stream.indirect.gather [hbm4b:s4+s13], $0x40, s3, s13, $0xb8;
	[tilespmem:$0x14800] =	vst v63  }
0x1b: {  	_ = 	snop  }
0x1c: {  	[tilespmem:s15], [sflag:$0x1] =	stream.indirect.gather [hbm4b:s5+s13], $0x40, s12, s13, $0xb8;
	[tilespmem:$0x14800] =	vst v63  }
0x1d: {  	_ = 	snop  }
0x1e: {  	[tilespmem:s16], [sflag:$0x2] =	stream.indirect.gather [hbm4b:s4+s13], $0x40, s13, s13, $0xb8;
	[tilespmem:$0x14800] =	vst v63  }
0x1f: {  	s22 =	simm.s32 $0x0  }
0x20: {  	[tilespmem:s18], [sflag:$0x2] =	stream.indirect.gather [hbm4b:s5+s13], $0x40, s17, s13, $0xb8;
	[tilespmem:$0x14800] =	vst v63  }
.LBB2_2:
0x21: {  	_ =	swait.ge [sflag:s19], $0x2000  }
0x22: {  	[sflag:s19] =	ssyncset.done $0x0  }
0x23: {  	[sflag:s19] =	ssyncadd.s32 $0xFFFFE000  }
0x24: {  	_ =	swait.ge [sflag:s19], $0x2000  }
0x25: {  	[sflag:s19] =	ssyncset.done $0x0  }
0x26: {  	s23 =	simm.s32 $0x0;
	[sflag:s19] =	ssyncadd.s32 $0xFFFFE000  }
0x27: {  	v1 =	vld [tilespmem:s23+$0x10830]  }
0x28: {  	v2 =	vld [tilespmem:s23+$0x10800]  }
0x29: {  	v3 =	vld [tilespmem:s23+$0x10810]  }
0x2a: {  	v0 =	vld [tilespmem:s23+$0x10820];
	_ =	sdelay $0x1  }
0x2b: {  	[tilespmem:s23+$0xC830] =	vst.add.f32.msk $0xffff, v1  }
0x2c: {  	[tilespmem:s23+$0xC800] =	vst.add.f32.msk $0xffff, v2  }
0x2d: {  	s24 =	simm.s32 $0x40;
	s25 =	simm.s32 $0x200;
	[tilespmem:s23+$0xC810] =	vst.add.f32.msk $0xffff, v3  }
.LBB2_3:
0x2e: {  	p0 =	sne.s32 s25, $0x7F00;
	v1 =	vld [tilespmem:s24+$0x10830];
	v2 =	vmov v0  }
0x2f: {  	v3 =	vld [tilespmem:s24+$0x10800]  }
0x30: {  	v4 =	vld [tilespmem:s24+$0x10810]  }
.Ltmp2:
0x31: {  	v0 =	vld [tilespmem:s24+$0x10820];
	(pc) =	sbr.rel @p0 .LBB2_3-.Ltmp2, $4  }
0x32: {  	[tilespmem:s23+$0xC820] =	vst.add.f32.msk $0xffff, v2;
	s23 =	smov.u32 s24  }
0x33: {  	[tilespmem:s23+$0xC830] =	vst.add.f32.msk $0xffff, v1  }
0x34: {  	[tilespmem:s23+$0xC800] =	vst.add.f32.msk $0xffff, v3  }
0x35: {  	s24 =	sshra.s32 s25, $0x2;
	s25 =	sadd.s32 $0x100, s25;
	[tilespmem:s23+$0xC810] =	vst.add.f32.msk $0xffff, v4  }
0x36: {  	v1 =	vld [tilespmem:s24+$0x10830]  }
0x37: {  	v2 =	vld [tilespmem:s24+$0x10800]  }
0x38: {  	v3 =	vld [tilespmem:s24+$0x10810]  }
0x39: {  	v4 =	vld [tilespmem:s24+$0x10820]  }
0x3a: {  	[tilespmem:s23+$0xC820] =	vst.add.f32.msk $0xffff, v0  }
0x3b: {  	s31 =	sshll.u32 s22, $0xE;
	[tilespmem:s24+$0xC830] =	vst.add.f32.msk $0xffff, v1  }
0x3c: {  	s23 =	sadd.s32 s8, s31;
	[tilespmem:s24+$0xC800] =	vst.add.f32.msk $0xffff, v2  }
0x3d: {  	s23 =	sshrl.u32 s23, $0x3;
	[tilespmem:s24+$0xC810] =	vst.add.f32.msk $0xffff, v3  }
0x3e: {  	s23 =	sadd.s32 s2, s23;
	[tilespmem:s24+$0xC820] =	vst.add.f32.msk $0xffff, v4  }
0x3f: {  	[hbm4b:s23+s3] =	stream.linear.scatter [tilespmem:s14], [sflag:$0x3], $0x2000, $0x38;
	[tilespmem:$0x14800] =	vst v63  }
0x40: {  	p0 =	seq.s32 s22, $0x63;
	_ =	swait.ge [sflag:s11], $0x2000  }
0x41: {  	s25 =	simm.s32 @!p0 $0x80;
	s23 =	sshll.u32 s22, $0x8;
	[sflag:s11] =	ssyncset.done $0x0  }
0x42: {  	s26 =	simm.s32 @!p0 $0xC800;
	s24 =	sadd.s32 @!p0 $0x100, s23;
	[sflag:s11] =	ssyncadd.s32 $0xFFFFE000  }
0x43: {  	[tilespmem:s26], [sflag:$0x1] =	stream.indirect.gather @!p0 [hbm4b:s4+s25], $0x40, s24, s25, $0xb8;
	[tilespmem:$0x14800] =	vst v63  }
0x44: {  	s24 =	sadd.s32 @!p0 $0x6500, s23;
	s26 =	simm.s32 @!p0 $0x10800  }
0x45: {  	[tilespmem:s26], [sflag:$0x1] =	stream.indirect.gather @!p0 [hbm4b:s5+s25], $0x40, s24, s25, $0xb8;
	[tilespmem:$0x14800] =	vst v63  }
0x46: {  	_ =	swait.ge [sflag:s20], $0x2000  }
0x47: {  	[sflag:s20] =	ssyncset.done $0x0  }
0x48: {  	[sflag:s20] =	ssyncadd.s32 $0xFFFFE000  }
0x49: {  	_ =	swait.ge [sflag:s20], $0x2000  }
0x4a: {  	[sflag:s20] =	ssyncset.done $0x0  }
0x4b: {  	s24 =	simm.s32 $0x0;
	[sflag:s20] =	ssyncadd.s32 $0xFFFFE000  }
0x4c: {  	v1 =	vld [tilespmem:s24+$0x12830]  }
0x4d: {  	v2 =	vld [tilespmem:s24+$0x12800]  }
0x4e: {  	v3 =	vld [tilespmem:s24+$0x12810]  }
0x4f: {  	v0 =	vld [tilespmem:s24+$0x12820];
	_ =	sdelay $0x1  }
0x50: {  	[tilespmem:s24+$0xE830] =	vst.add.f32.msk $0xffff, v1  }
0x51: {  	[tilespmem:s24+$0xE800] =	vst.add.f32.msk $0xffff, v2  }
0x52: {  	s25 =	simm.s32 $0x40;
	s26 =	simm.s32 $0x200;
	[tilespmem:s24+$0xE810] =	vst.add.f32.msk $0xffff, v3  }
.LBB2_5:
0x53: {  	p1 =	sne.s32 s26, $0x7F00;
	v1 =	vld [tilespmem:s25+$0x12830];
	v2 =	vmov v0  }
0x54: {  	v3 =	vld [tilespmem:s25+$0x12800]  }
0x55: {  	v4 =	vld [tilespmem:s25+$0x12810]  }
.Ltmp3:
0x56: {  	v0 =	vld [tilespmem:s25+$0x12820];
	(pc) =	sbr.rel @p1 .LBB2_5-.Ltmp3, $4  }
0x57: {  	[tilespmem:s24+$0xE820] =	vst.add.f32.msk $0xffff, v2;
	s24 =	smov.u32 s25  }
0x58: {  	[tilespmem:s24+$0xE830] =	vst.add.f32.msk $0xffff, v1  }
0x59: {  	[tilespmem:s24+$0xE800] =	vst.add.f32.msk $0xffff, v3  }
0x5a: {  	s25 =	sshra.s32 s26, $0x2;
	s26 =	sadd.s32 $0x100, s26;
	[tilespmem:s24+$0xE810] =	vst.add.f32.msk $0xffff, v4  }
0x5b: {  	v1 =	vld [tilespmem:s25+$0x12830]  }
0x5c: {  	v2 =	vld [tilespmem:s25+$0x12800]  }
0x5d: {  	v3 =	vld [tilespmem:s25+$0x12810]  }
0x5e: {  	v4 =	vld [tilespmem:s25+$0x12820]  }
0x5f: {  	[tilespmem:s24+$0xE820] =	vst.add.f32.msk $0xffff, v0  }
0x60: {  	s31 =	sadd.s32 s23, s9;
	[tilespmem:s25+$0xE830] =	vst.add.f32.msk $0xffff, v1  }
0x61: {  	s24 =	sshll.u32 s31, $0x3;
	[tilespmem:s25+$0xE800] =	vst.add.f32.msk $0xffff, v2  }
0x62: {  	s24 =	sand.u32 $0x1FFFFC00, s24;
	[tilespmem:s25+$0xE810] =	vst.add.f32.msk $0xffff, v3  }
.Ltmp4:
0x63: {  	s24 =	sadd.s32 s2, s24;
	[tilespmem:s25+$0xE820] =	vst.add.f32.msk $0xffff, v4;
	(pc) =	sbr.rel @p0 .LBB2_8-.Ltmp4, $4  }
0x64: {  	[hbm4b:s24+s3] =	stream.linear.scatter [tilespmem:s16], [sflag:$0x3], $0x2000, $0x38;
	[tilespmem:$0x14800] =	vst v63  }
0x65: {  	_ =	swait.ge [sflag:s11], $0x2000  }
0x66: {  	[sflag:s11] =	ssyncset.done $0x0  }
0x67: {  	[sflag:s11] =	ssyncadd.s32 $0xFFFFE000  }
.Ltmp5:
0x68: {  	(pc) =	sbr.rel .LBB2_2-.Ltmp5, $4  }
0x69: {  	s24 =	sadd.s32 $0x180, s23  }
0x6a: {  	[tilespmem:s16], [sflag:$0x2] =	stream.indirect.gather [hbm4b:s4+s13], $0x40, s24, s13, $0xb8;
	[tilespmem:$0x14800] =	vst v63  }
0x6b: {  	s31 =	sadd.s32 $0x6580, s23;
	s22 =	sadd.s32 $0x1, s22  }
0x6c: {  	[tilespmem:s18], [sflag:$0x2] =	stream.indirect.gather [hbm4b:s5+s13], $0x40, s31, s13, $0xb8;
	[tilespmem:$0x14800] =	vst v63  }
.LBB2_9:
0x6d: {  	_ =	sfence.sel $0x180000  }
0x6e: {  	[bflag:$0x0] =	sbarrier.arrive $0xFFFF  }
0x6f: {  	p0 =	sne.s32 s0, $0x0;
	_ =	strace $0x90000047  }
0x70: {  	s0 =	sadd.s32 @!p0 $0x100000, s1;
	[bflag:$0x2] =	sbarrier.arrive $0xFFFF  }
0x71: {  	[sflag:s0] =	ssyncadd.tile.s32 @!p0 $0x1;
	_ =	shalt  }
.Lfunc_end2:
_tile_overlayer_lowered:
.L_overlay_start_2:
0x72: {  	(tag) =	ssettag $0x2  }
0x73: {  	s0 =	rddreg [dreg:$0x0];
	s2 =	stileid.u32  }
0x74: {  	s1 =	rddreg [dreg:$0x1];
	p0 =	sne.s32 s2, $0x0  }
0x75: {  	s3 =	rddreg [dreg:$0x2];
	[bflag:$0x3] =	sbarrier.arrive $0xFFFF;
	s2 =	simm.s32 @!p0 $0x1C03  }
0x76: {  	[timem:s3], [sflag:s2] =	dma.local @!p0 [hbm:s0], s1  }
0x77: {  	s0 =	simm.s32 @!p0 $0x3  }
0x78: {  	_ =	swait.ge @!p0 [sflag:s0], s1  }
0x79: {  	s1 =	ssub.s32 @!p0 $0x0, s1;
	[sflag:s0] =	ssyncset.done @!p0 $0x0  }
0x7a: {  	[sflag:s0] =	ssyncadd.s32 @!p0 s1  }
0x7b: {  	[bflag:$0x3] =	sbarrier.arrive $0xFFFF  }
0x7c: {  	_ =	shalt  }

// kernel: sparse-core-data-format-call.cloned.1.call-start
scs
called_computation_lowered:
.L_overlay_start_0:
0x0: {  	s2 =	sld [smem:$0x3FD9]  }
0x1: {  	s3 =	sld [smem:$0x3FFE];
	_ =	sdelay $0x1  }
0x2: {  	s1 =	srdreg.scid  }
0x3: {  	s0 =	sand.u32 $0x1, s1  }
0x4: {  	s18 =	sshll.u32 s0, $0xA;
	s2 =	sadd.s32 s3, s2  }
0x5: {  	s2 =	sadd.s32 s2, s18  }
0x6: {  	[smem:$0x3FC0] =	sst s2  }
0x7: {  	_ = 	snop  }
0x8: {  	s2 =	sld [smem:$0x3FD0];
	(tm) =	ssettm $0x1  }
0x9: {  	s19 =	sld [smem:$0x3FFB];
	_ =	sdelay $0x3  }
0xa: {  	_ =	strace s19  }
0xb: {  	s3 =	sld [smem:$0x3FFC];
	_ =	sdelay $0x3  }
0xc: {  	_ =	strace s3  }
0xd: {  	s3 =	sld [smem:$0x3FFD];
	_ =	sdelay $0x3  }
0xe: {  	_ =	strace s3  }
0xf: {  	_ =	strace $0x8FFFFFFF  }
0x10: {  	s20 =	sld [smem:$0x3FDB];
	_ =	sdelay $0x1  }
0x11: {  	s4 =	simm.s32 $_scs_section_size  }
0x12: {  	s5 =	simm.s32 $_size__tile_overlayer_lowered;
	s6 =	simm.s32 $_tile_overlayer_lowered  }
0x13: {  	s23 =	simm.s32 $0x1BFF;
	s22 =	sshll.u32 s6, $0x1;
	s3 =	sadd.s32 s4, s20  }
0x14: {  	s7 =	simm.s32 $0x0;
	s21 =	sshll.u32 s5, $0x1;
	s5 =	sadd.s32 s22, s3  }
0x15: {  	[timem:s7], [sflag:s23] =	dma.local [hbm:s5], s21  }
0x16: {  	_ =	swait.ge [sflag:s23], s21  }
0x17: {  	s4 =	ssub.s32 $0x0, s21;
	[sflag:s23] =	ssyncset.done $0x0  }
0x18: {  	[sflag:s23] =	ssyncadd.s32 s4;
	_ =	sdelay $0x1  }
0x19: {  	s24 =	simm.s32 $0x1B8B  }
0x1a: {  	_ =	swait.ge [sflag:s24], $0x1  }
0x1b: {  	[sflag:s24] =	ssyncset.done $0x0  }
0x1c: {  	s26 =	simm.s32 $0x1B8E;
	s25 =	sld [smem:$0x3FFE];
	[sflag:s24] =	ssyncadd.s32 $0xFFFFFFFF  }
0x1d: {  	s27 =	simm.s32 $execute0_lowered;
	[smem:$0x3FD2] =	sst s26  }
0x1e: {  	s5 =	sshll.u32 s27, $0x1;
	_ =	strace $0x80000049;
	[dreg:$0x1] =	wrdreg $0xFFFFFFFF  }
0x1f: {  	s28 =	simm.s32 $_size_execute0_lowered;
	s3 =	sadd.s32 s3, s5;
	[dreg:$0x0] =	wrdreg $0x0  }
0x20: {  	s5 =	sshll.u32 s28, $0x1;
	[dreg:$0x2] =	wrdreg s3  }
0x21: {  	[dreg:$0x3] =	wrdreg s5  }
0x22: {  	[dreg:$0x4] =	wrdreg $0xC0  }
0x23: {  	_ =	task [dreg:s7], $0x5FFFF  }
0x24: {  	[dreg:$0x1] =	wrdreg $0xFFFFFFFF  }
0x25: {  	[dreg:$0x0] =	wrdreg $0x60  }
0x26: {  	[dreg:$0x2] =	wrdreg s25  }
0x27: {  	[dreg:$0x3] =	wrdreg s2  }
0x28: {  	[dreg:$0x4] =	wrdreg $0x9  }
0x29: {  	_ =	task.clear_ibuf [dreg:s7], $0x5FFFF;
	_ =	strace $0x90000049  }
0x2a: {  	s29 =	simm.s32 $0x9;
	_ =	strace $0x8000004B  }
0x2b: {  	_ =	swait.ge [sflag:s29], $0x1  }
0x2c: {  	[sflag:s29] =	ssyncadd.s32 $0xFFFFFFFF  }
0x2d: {  	_ =	strace $0x9000004B  }
0x2e: {  	_ =	sfence  }
0x2f: {  	s30 =	sld [smem:$0x0];
	_ =	sdelay $0x2  }
0x30: {  	s31 =	sshll.u32 s1, $0xD;
	s1 =	sshrl.u32 s1, $0x2  }
0x31: {  	s3 =	sand.u32 $0x4000, s31;
	s1 =	sadd.s32 s1, s30  }
0x32: {  	s0 =	sor.u32 s3, s0;
	s1 =	sshll.u32 s1, $0x11  }
0x33: {  	s0 =	sor.u32 s1, s0  }
0x34: {  	s0 =	sadd.s32 $0x8F2B, s0  }
0x35: {  	[sflag:s0] =	ssyncadd.remote.s32 $0x1  }
0x36: {  	_ =	sfence.sel $0xFFFF  }
0x37: {  	[dreg:$0x0] =	wrdreg $0xFFFFFFFF;
	(pc) =	sbr.abs _section_cstart, $3  }
0x38: {  	[dreg:$0x1] =	wrdreg $0xFFFFFFFF  }
0x39: {  	_ =	task.clear_ibuf [dreg:s7], $0x2FFFF;
	_ =	strace $0x9FFFFFFF  }
0x3a: {  	(tm) =	ssettm $0x7FFFFFFF  }
0x3b: {  	_ =	shalt  }
tec
execute0_lowered:
.L_overlay_start_1:
0x0: {  	(tag) =	ssettag $0x1  }
0x1: {  	s0 =	srdreg.scid  }
0x2: {  	s1 =	sshll.u32 s0, $0x4  }
0x3: {  	s5 =	rddreg [dreg:$0x0];
	s0 =	stileid.u32;
	s1 =	sand.u32 $0x10, s1  }
0x4: {  	s3 =	rddreg [dreg:$0x1];
	s31 =	simm.s32 $0x2;
	s4 =	sor.u32 s0, s1  }
0x5: {  	s13 =	simm.s32 $0x0;
	s9 =	simm.s32 $0x400;
	s2 =	sshll.u32 s4, $0x7  }
0x6: {  	s10 =	simm.s32 $0x8000;
	s14 =	simm.s32 $0x0;
	s6 =	ssub.s32 $0x1000, s2  }
0x7: {  	s1 =	rddreg [dreg:$0x2];
	_ =	strace $0x8000004A;
	s7 =	sand.u32 $0xF80, s6  }
0x8: {  	s4 =	sshll.u32 s4, $0xB;
	p0 =	sne.s32 s7, $0x0;
	s7 =	simm.s32 $0x1  }
.Ltmp0:
0x9: {  	s6 =	sshrl.u32 s6, $0xC;
	s7 =	simm.s32 @!p0 $0x0;
	(pc) =	sbr.rel .LBB1_1-.Ltmp0, $4  }
0xa: {  	s8 =	sadd.s32 s4, s5;
	s4 =	simm.s32 $0x1;
	s30 =	sadd.s32 s7, s6  }
0xb: {  	s11 =	simm.s32 $0x0;
	[sflag:s4] =	ssyncpa.u1 $0x0;
	s5 =	smul.u32 $0x64, s30  }
0xc: {  	s12 =	simm.s32 $0x0;
	[sflag:s31] =	ssyncpa.u1 $0x0;
	p0 =	por $0x0, $0x0  }
0xd: {  	s6 =	sadd.s32 $0x1800, s8;
	s7 =	sadd.s32 $0x11800, s8;
	s8 =	sor.u32 $0x1, s5  }
.LBB1_7:
0xe: {  	s15 =	sadd.s32 $0x2, s11  }
0xf: {  	p2 =	sgt.s32 s15, $0xC7  }
0x10: {  	s15 =	simm.s32 @p2 $0x0;
	p2 =	sne.s32 s12, s8  }
.Ltmp1:
0x11: {  	p1 =	slt.u32 s12, $0x2;
	(pc) =	sbr.rel @!p2 .LBB1_8-.Ltmp1, $4  }
0x12: {  	s13 =	simm.s32 @!p1 $0x2  }
0x13: {  	s16 =	sadd.s32 $0x1, s12;
	s14 =	smov.u32 s11;
	_ =	swait.ge @!p1 [sflag:s13], $0x4000  }
0x14: {  	p0 =	por !p0, !p0;
	s12 =	smov.u32 s16;
	[sflag:s13] =	ssyncset.done @!p1 $0x0  }
0x15: {  	s11 =	smov.u32 s15;
	[sflag:s13] =	ssyncadd.s32 @!p1 $0xFFFFC000;
	s13 =	smov.u32 s2  }
.LBB1_1:
0x16: {  	p1 =	sge.u32 s12, s5  }
0x17: {  	s15 =	sxor.u32 @!p1 $0xFFFFFFFF, s12  }
0x18: {  	s16 =	sshll.u32 @!p1 s11, $0x10;
	s18 =	simm.s32 @!p1 $0x40;
	s15 =	sshll.u32 @!p1 s15, $0xE  }
0x19: {  	s19 =	simm.s32 @!p1 $0x80;
	s17 =	sadd.s32 @!p1 s16, s6;
	s15 =	sand.u32 @!p1 $0x4000, s15  }
0x1a: {  	[tilespmem:s15], [sflag:$0x1] =	stream.strided.gather @!p1 [hbm4b:s17+s18], $0x2000, s19, s18, $0x38;
	[tilespmem:$0x10100] =	vst v63  }
0x1b: {  	s31 =	sadd.s32 $0xFFFFFFFF, s12;
	s16 =	sadd.s32 @!p1 s16, s7;
	s15 =	sor.u32 @!p1 $0x2000, s15  }
0x1c: {  	[tilespmem:s15], [sflag:$0x1] =	stream.strided.gather @!p1 [hbm4b:s16+s18], $0x2000, s19, s18, $0x38;
	[tilespmem:$0x10100] =	vst v63  }
0x1d: {  	p1 =	sge.u32 s31, s5  }
.Ltmp2:
0x1e: {  	_ = 	snop;
	(pc) =	sbr.rel @p1 .LBB1_7-.Ltmp2, $1  }
0x1f: {  	_ =	sdelay $0x3  }
0x20: {  	s15 =	simm.s32 $0x1;
	s17 =	sand.u32 $0x1, s12  }
0x21: {  	_ =	swait.ge [sflag:s4], $0x4000;
	s15 =	simm.s32 @!p0 $0x0;
	s17 =	smul.u32 $0x10200, s17  }
0x22: {  	p2 =	por $0x1, $0x1;
	[sflag:s4] =	ssyncset.done $0x0;
	s16 =	smul.u32 $0x10200, s15  }
0x23: {  	s18 =	sshll.u32 s15, $0x10;
	[sflag:s4] =	ssyncadd.s32 $0xFFFFC000;
	s30 =	sshrl.u32 s17, $0x2  }
0x24: {  	s31 =	sshrl.u32 s18, $0x2;
	s18 =	simm.s32 $0x0;
	s16 =	sshrl.u32 s16, $0x2  }
0x25: {  	s15 =	sor.u32 $0x8000, s30;
	s17 =	sadd.s32 $0x20, s31;
	s16 =	sor.u32 $0x8000, s16  }
.LBB1_3:
0x26: {  	s19 =	sshll.u32 s18, $0xD  }
0x27: {  	s19 =	sand.u32 $0x3FFFE000, s19  }
0x28: {  	s21 =	sadd.s32 s19, s17  }
0x29: {  	s31 =	smul.u32 $0x8100, s18;
	v3 =	vld [tilespmem:s21+$0x10]  }
0x2a: {  	v1 =	vld [tilespmem:s21+$0xFFFFFFF0]  }
0x2b: {  	s18 =	sshra.s32 s31, $0x2;
	v0 =	vld [tilespmem:s21+$0x0]  }
0x2c: {  	s18 =	sadd.s32 s18, s16;
	v2 =	vld [tilespmem:s21+$0xFFFFFFE0]  }
0x2d: {  	s19 =	sadd.s32 $0x0, s18  }
0x2e: {  	p1 =	por p2, p2;
	s20 =	simm.s32 $0x4;
	s21 =	sadd.s32 $0x40, s21;
	[tilespmem:s19+$0x1830 ss:$0x81] =	vst.msk $0xffff, v3  }
.LBB1_4:
0x2f: {  	v3 =	vld [tilespmem:s21+$0x10];
	p2 =	sne.s32 s20, $0x1FC;
	[tilespmem:s19+$0x810 ss:$0x81] =	vst.msk $0xffff, v1;
	s22 =	smov.u32 s20;
	s20 =	sadd.s32 $0x4, s20  }
.Ltmp3:
0x30: {  	v1 =	vld [tilespmem:s21+$0xFFFFFFF0];
	[tilespmem:s19+$0x1020 ss:$0x81] =	vst.msk $0xffff, v0;
	(pc) =	sbr.rel @p2 .LBB1_4-.Ltmp3, $4  }
0x31: {  	v0 =	vld [tilespmem:s21+$0x0];
	[tilespmem:s19+$0x0 ss:$0x81] =	vst.msk $0xffff, v2  }
0x32: {  	s19 =	sshra.s32 s22, $0x2;
	v2 =	vld [tilespmem:s21+$0xFFFFFFE0]  }
0x33: {  	s19 =	sadd.s32 s19, s18  }
0x34: {  	s21 =	sadd.s32 $0x40, s21;
	[tilespmem:s19+$0x1830 ss:$0x81] =	vst.msk $0xffff, v3  }
.Ltmp4:
0x35: {  	(pc) =	sbr.rel @p1 .LBB1_3-.Ltmp4, $4  }
0x36: {  	_ = 	snop  }
0x37: {  	[tilespmem:s19+$0x810 ss:$0x81] =	vst.msk $0xffff, v1  }
0x38: {  	[tilespmem:s19+$0x1020 ss:$0x81] =	vst.msk $0xffff, v0  }
0x39: {  	s18 =	simm.s32 $0x1;
	p2 =	por $0x0, $0x0;
	[tilespmem:s19+$0x0 ss:$0x81] =	vst.msk $0xffff, v2  }
.Ltmp5:
0x3a: {  	(pc) =	sbr.rel .LBB1_7-.Ltmp5, $4  }
0x3b: {  	s14 =	sshll.u32 s14, $0xF  }
0x3c: {  	s14 =	sadd.s32 s3, s14  }
0x3d: {  	s13 =	sadd.s32 s13, s14  }
0x3e: {  	[hbm4b:s13+s9] =	stream.strided.scatter [tilespmem:s15], [sflag:$0x2], $0x4000, s10, s9, $0x20;
	[tilespmem:$0x10100] =	vst v63  }
.LBB1_8:
0x3f: {  	_ =	sfence.sel $0x180000  }
0x40: {  	s2 =	simm.s32 $0x1;
	[bflag:$0x0] =	sbarrier.arrive $0xFFFF  }
0x41: {  	s31 =	simm.s32 $0x2;
	[sflag:s2] =	ssyncpa.u1 $0x1  }
0x42: {  	[sflag:s31] =	ssyncpa.u1 $0x1  }
0x43: {  	p0 =	sne.s32 s0, $0x0;
	_ =	strace $0x9000004A  }
0x44: {  	s0 =	sadd.s32 @!p0 $0x100000, s1;
	[bflag:$0x2] =	sbarrier.arrive $0xFFFF  }
0x45: {  	[sflag:s0] =	ssyncadd.tile.s32 @!p0 $0x1;
	_ =	shalt  }
.Lfunc_end1:
_tile_overlayer_lowered:
.L_overlay_start_2:
0x46: {  	(tag) =	ssettag $0x2  }
0x47: {  	s0 =	rddreg [dreg:$0x0];
	s2 =	stileid.u32  }
0x48: {  	s1 =	rddreg [dreg:$0x1];
	p0 =	sne.s32 s2, $0x0  }
0x49: {  	s3 =	rddreg [dreg:$0x2];
	[bflag:$0x3] =	sbarrier.arrive $0xFFFF;
	s2 =	simm.s32 @!p0 $0x1C01  }
0x4a: {  	[timem:s3], [sflag:s2] =	dma.local @!p0 [hbm:s0], s1  }
0x4b: {  	s0 =	simm.s32 @!p0 $0x1  }
0x4c: {  	_ =	swait.ge @!p0 [sflag:s0], s1  }
0x4d: {  	s1 =	ssub.s32 @!p0 $0x0, s1;
	[sflag:s0] =	ssyncset.done @!p0 $0x0  }
0x4e: {  	[sflag:s0] =	ssyncadd.s32 @!p0 s1  }
0x4f: {  	[bflag:$0x3] =	sbarrier.arrive $0xFFFF  }
0x50: {  	_ =	shalt  }

</sc_bundles>
